<compile_context>
chip_gen: v7x
topology: tpu7x:2x2x1
jax: 0.10.2.dev20260603
libtpu: 0.0.44.dev20260713+nightly
codegen_flags: <defaults>
</compile_context>

<pallas_src>
import functools

import jax
import jax.numpy as jnp
from jax import lax
from jax.experimental import pallas as pl
from jax.experimental.pallas import tpu as pltpu
from jax.experimental.pallas import tpu_sc as plsc

N_FIELDS = 26
VOCAB = 100000
EMB_DIM = 16
N_CONT = 13
B = 16384
EMB_COLS = N_FIELDS * EMB_DIM
EPS = 1e-5

BLK = 512
H1P = 1024
H2P = 512
CONTP = 16
OUTP = 128



CHB = 8192


def _sc_gather(tableT, xcatT):
    info = plsc.get_sparse_core_info()
    nc, ns = info.num_cores, info.num_subcores
    nw = nc * ns
    npairs = N_FIELDS * EMB_DIM
    per_w = npairs // nw
    assert npairs == per_w * nw
    nchunk = B // CHB
    mesh = plsc.VectorSubcoreMesh(core_axis_name="c", subcore_axis_name="s")

    @functools.partial(
        pl.kernel,
        mesh=mesh,
        out_type=jax.ShapeDtypeStruct((npairs, B), jnp.float32),
        scratch_types=[
            pltpu.VMEM((VOCAB,), jnp.float32),
            pltpu.VMEM((CHB,), jnp.int32),
            pltpu.VMEM((CHB,), jnp.int32),
            pltpu.VMEM((CHB,), jnp.float32),
            pltpu.SemaphoreType.DMA,
            pltpu.SemaphoreType.DMA,
        ],
        compiler_params=pltpu.CompilerParams(needs_layout_passes=False),
    )
    def gk(table_hbm, idx_hbm, out_hbm, row_v, idx_v0, idx_v1, o_v,
           rsem, s0):
        wid = lax.axis_index("s") * nc + lax.axis_index("c")
        idx_bufs = (idx_v0, idx_v1)

        def pair_body(p, carry):
            pid = wid * per_w + p
            f = pid // EMB_DIM
            d = pid % EMB_DIM
            rcp = pltpu.async_copy(table_hbm.at[f, d], row_v, rsem)

            @pl.when((p == 0) | (d == 0))
            def _():
                for cb in range(nchunk):
                    pltpu.sync_copy(idx_hbm.at[f, pl.ds(cb * CHB, CHB)],
                                    idx_bufs[cb])

            rcp.wait()

            for cb in range(nchunk):
                idx_v = idx_bufs[cb]

                @pl.when((p > 0) | (cb > 0))
                def _():
                    pltpu.make_async_copy(
                        o_v, out_hbm.at[pid, pl.ds(cb * CHB, CHB)],
                        s0).wait()

                @plsc.parallel_loop(0, CHB // 256, unroll=1)
                def _(j):
                    base = j * 256
                    idxs = [idx_v[pl.ds(base + u * 16, 16)]
                            for u in range(16)]
                    vals = [plsc.load_gather(row_v, [ix]) for ix in idxs]
                    for u in range(16):
                        o_v[pl.ds(base + u * 16, 16)] = vals[u]

                pltpu.async_copy(
                    o_v, out_hbm.at[pid, pl.ds(cb * CHB, CHB)], s0)
            return carry

        lax.fori_loop(0, per_w, pair_body, 0)
        pltpu.make_async_copy(o_v, out_hbm.at[0, pl.ds(0, CHB)], s0).wait()

    return gk(tableT, xcatT)



NBLK = B // BLK


def _tc_mlp(xembT, xc, w1e, w1c, b1, bncg, bncb, w2, b2, g1, bb1,
            w3, b3, g2, bb2):

    def body(xt_ref, xc_ref, w1e_ref, w1c_ref, b1_ref, bncg_ref, bncb_ref,
             w2_ref, b2_ref, g1_ref, bb1_ref, w3_ref, b3_ref, g2_ref,
             bb2_ref, o_ref, h1_s, h2_s, st1, st2, affc, w2s, c2, w3s, c3):
        p = pl.program_id(0)
        i = pl.program_id(1)

        @pl.when((p == 0) & (i == 0))
        def _():
            xcf = xc_ref[...].astype(jnp.float32)
            m = jnp.mean(xcf, axis=0, keepdims=True)
            v = jnp.mean(xcf * xcf, axis=0, keepdims=True) - m * m
            sc = bncg_ref[...] / jnp.sqrt(v + EPS)
            affc[0:1, :] = sc
            affc[1:2, :] = bncb_ref[...] - m * sc
            st1[...] = jnp.zeros_like(st1)
            st2[...] = jnp.zeros_like(st2)
        ones = jnp.ones((1, BLK), jnp.float32)
        cdot = lambda a, b: lax.dot_general(
            a, b, (((0,), (0,)), ((), ())),
            preferred_element_type=jnp.float32)

        @pl.when(p == 0)
        def _():
            xcb = xc_ref[pl.ds(i * BLK, BLK), :].astype(jnp.float32)
            xcn = xcb * affc[0:1, :] + affc[1:2, :]
            h = lax.dot_general(xt_ref[...], w1e_ref[...],
                                (((0,), (0,)), ((), ())),
                                preferred_element_type=jnp.float32)
            h = h + jnp.dot(xcn, w1c_ref[...],
                            preferred_element_type=jnp.float32)
            h = jnp.maximum(h + b1_ref[...], 0.0)
            h1_s[pl.ds(i * BLK, BLK), :] = h.astype(jnp.bfloat16)
            st1[0:1, :] += jnp.dot(ones, h, preferred_element_type=jnp.float32)
            st1[1:2, :] += jnp.dot(ones, h * h, preferred_element_type=jnp.float32)

        @pl.when((p == 1) & (i == 0))
        def _():
            m = st1[0:1, :] * (1.0 / B)
            v = st1[1:2, :] * (1.0 / B) - m * m
            sc = g1_ref[...] / jnp.sqrt(v + EPS)
            sh = bb1_ref[...] - m * sc
            bT = jnp.swapaxes(jnp.concatenate([sc, sh], axis=0), 0, 1)
            w2f = w2_ref[...].astype(jnp.float32)
            w2s[...] = (w2f * bT[:, 0:1]).astype(jnp.bfloat16)
            c2[0:1, :] = b2_ref[...] + cdot(bT[:, 1:2], w2f)

        @pl.when(p == 1)
        def _():
            h1b = h1_s[pl.ds(i * BLK, BLK), :]
            h = jnp.dot(h1b, w2s[...], preferred_element_type=jnp.float32)
            h = jnp.maximum(h + c2[0:1, :], 0.0)
            h2_s[pl.ds(i * BLK, BLK), :] = h.astype(jnp.bfloat16)
            st2[0:1, :] += jnp.dot(ones, h, preferred_element_type=jnp.float32)
            st2[1:2, :] += jnp.dot(ones, h * h, preferred_element_type=jnp.float32)

        @pl.when((p == 2) & (i == 0))
        def _():
            m = st2[0:1, :] * (1.0 / B)
            v = st2[1:2, :] * (1.0 / B) - m * m
            sc = g2_ref[...] / jnp.sqrt(v + EPS)
            sh = bb2_ref[...] - m * sc
            bT = jnp.swapaxes(jnp.concatenate([sc, sh], axis=0), 0, 1)
            w3f = w3_ref[...].astype(jnp.float32)
            w3s[...] = (w3f * bT[:, 0:1]).astype(jnp.bfloat16)
            c3[0:1, :] = b3_ref[...] + cdot(bT[:, 1:2], w3f)

        @pl.when(p == 2)
        def _():
            h2b = h2_s[pl.ds(i * BLK, BLK), :]
            o = jnp.dot(h2b, w3s[...], preferred_element_type=jnp.float32)
            o_ref[...] = o + c3[0:1, :]

    cnst = lambda p, i: (0, 0)
    return pl.pallas_call(
        body,
        grid=(3, NBLK),
        in_specs=[
            pl.BlockSpec((EMB_COLS, BLK),
                         lambda p, i: (0, jnp.where(p == 0, i, NBLK - 1))),
            pl.BlockSpec((B, CONTP), cnst),
            pl.BlockSpec((EMB_COLS, H1P), cnst),
            pl.BlockSpec((CONTP, H1P), cnst),
            pl.BlockSpec((1, H1P), cnst),
            pl.BlockSpec((1, CONTP), cnst),
            pl.BlockSpec((1, CONTP), cnst),
            pl.BlockSpec((H1P, H2P), cnst),
            pl.BlockSpec((1, H2P), cnst),
            pl.BlockSpec((1, H1P), cnst),
            pl.BlockSpec((1, H1P), cnst),
            pl.BlockSpec((H2P, OUTP), cnst),
            pl.BlockSpec((1, OUTP), cnst),
            pl.BlockSpec((1, H2P), cnst),
            pl.BlockSpec((1, H2P), cnst),
        ],
        out_specs=pl.BlockSpec((BLK, OUTP),
                               lambda p, i: (jnp.where(p == 2, i, 0), 0)),
        out_shape=jax.ShapeDtypeStruct((B, OUTP), jnp.float32),
        scratch_shapes=[
            pltpu.VMEM((B, H1P), jnp.bfloat16),
            pltpu.VMEM((B, H2P), jnp.bfloat16),
            pltpu.VMEM((8, H1P), jnp.float32),
            pltpu.VMEM((8, H2P), jnp.float32),
            pltpu.VMEM((8, CONTP), jnp.float32),
            pltpu.VMEM((H1P, H2P), jnp.bfloat16),
            pltpu.VMEM((8, H2P), jnp.float32),
            pltpu.VMEM((H2P, OUTP), jnp.bfloat16),
            pltpu.VMEM((8, OUTP), jnp.float32),
        ],
        compiler_params=pltpu.CompilerParams(
            dimension_semantics=("arbitrary", "arbitrary"),
            vmem_limit_bytes=64 * 1024 * 1024),
    )(xembT, xc, w1e, w1c, b1, bncg, bncb, w2, b2, g1, bb1, w3, b3, g2, bb2)


def kernel(x_cat, x_cont, emb_tables, bn_cont_g, bn_cont_b,
           W1, b1, bn1_g, bn1_b, W2, b2, bn2_g, bn2_b, W3, b3):
    tableT = jnp.transpose(emb_tables, (0, 2, 1))
    xcatT = jnp.transpose(x_cat.astype(jnp.int32), (1, 0))

    xc = jnp.pad(x_cont, ((0, 0), (0, CONTP - N_CONT))).astype(jnp.bfloat16)
    bncg = jnp.pad(bn_cont_g, (0, CONTP - N_CONT)).reshape(1, CONTP)
    bncb = jnp.pad(bn_cont_b, (0, CONTP - N_CONT)).reshape(1, CONTP)

    n1 = W1.shape[0]
    n2 = W2.shape[0]
    w1e = jnp.pad(W1[:, :EMB_COLS].T, ((0, 0), (0, H1P - n1)))
    w1c = jnp.pad(W1[:, EMB_COLS:].T,
                  ((0, CONTP - N_CONT), (0, H1P - n1)))
    b1p = jnp.pad(b1, (0, H1P - n1)).reshape(1, H1P)
    g1p = jnp.pad(bn1_g, (0, H1P - n1)).reshape(1, H1P)
    bb1p = jnp.pad(bn1_b, (0, H1P - n1)).reshape(1, H1P)

    w2p = jnp.pad(W2.T, ((0, H1P - n1), (0, H2P - n2))).astype(jnp.bfloat16)
    b2p = jnp.pad(b2, (0, H2P - n2)).reshape(1, H2P)
    g2p = jnp.pad(bn2_g, (0, H2P - n2)).reshape(1, H2P)
    bb2p = jnp.pad(bn2_b, (0, H2P - n2)).reshape(1, H2P)

    w3p = jnp.pad(W3.T, ((0, H2P - n2), (0, OUTP - 1))).astype(jnp.bfloat16)
    b3p = jnp.pad(b3, (0, OUTP - 1)).reshape(1, OUTP)

    xembT = _sc_gather(tableT, xcatT)
    o = _tc_mlp(xembT, xc, w1e, w1c, b1p, bncg, bncb,
                w2p, b2p, g1p, bb1p, w3p, b3p, g2p, bb2p)
    return o[:, :1]

# --- scband reference (transcript-rebuilt; emitter-appended) ---
"""Pipeline reference for scband-rossmann-model-58256936403584 (READ-ONLY COPY).

The authoritative reference and input builder live on the scoring server;
editing this copy changes nothing except your own understanding.
"""

import jax, jax.numpy as jnp
import numpy as np

N_FIELDS = 26
VOCAB = 100000
EMB_DIM = 16
N_CONT = 13
B = 16384
D_IN = N_FIELDS * EMB_DIM + N_CONT  # 429


def setup_inputs(seed: int = 0) -> dict:
    key = jax.random.key(seed)
    ks = jax.random.split(key, 8)
    x_cat = jax.random.randint(ks[0], (B, N_FIELDS), 0, VOCAB, dtype=jnp.int64 if jax.config.jax_enable_x64 else jnp.int32)
    x_cont = jax.random.normal(ks[1], (B, N_CONT), dtype=jnp.float32)
    emb_tables = jax.random.normal(ks[2], (N_FIELDS, VOCAB, EMB_DIM), dtype=jnp.float32) * 0.05
    W1 = jax.random.normal(ks[3], (1000, D_IN), dtype=jnp.float32) * (1.0 / np.sqrt(D_IN))
    b1 = jnp.zeros((1000,), dtype=jnp.float32)
    W2 = jax.random.normal(ks[4], (500, 1000), dtype=jnp.float32) * (1.0 / np.sqrt(1000))
    b2 = jnp.zeros((500,), dtype=jnp.float32)
    W3 = jax.random.normal(ks[5], (1, 500), dtype=jnp.float32) * (1.0 / np.sqrt(500))
    b3 = jnp.zeros((1,), dtype=jnp.float32)
    return {
        'x_cat': x_cat,
        'x_cont': x_cont,
        'emb_tables': emb_tables,
        'bn_cont_g': jnp.ones((N_CONT,), jnp.float32),
        'bn_cont_b': jnp.zeros((N_CONT,), jnp.float32),
        'W1': W1, 'b1': b1,
        'bn1_g': jnp.ones((1000,), jnp.float32),
        'bn1_b': jnp.zeros((1000,), jnp.float32),
        'W2': W2, 'b2': b2,
        'bn2_g': jnp.ones((500,), jnp.float32),
        'bn2_b': jnp.zeros((500,), jnp.float32),
        'W3': W3, 'b3': b3,
    }


def _batchnorm(x, g, b, eps=1e-5):
    m = jnp.mean(x, axis=0)
    v = jnp.var(x, axis=0)
    return g * (x - m) / jnp.sqrt(v + eps) + b


def reference(x_cat, x_cont, emb_tables, bn_cont_g, bn_cont_b, W1, b1, bn1_g, bn1_b, W2, b2, bn2_g, bn2_b, W3, b3):
    # embedding lookups: one gather per sparse field (SparseCore gather)
    emb = emb_tables[jnp.arange(N_FIELDS), x_cat]  # [B, N_FIELDS, EMB_DIM]
    x = emb.reshape(x_cat.shape[0], N_FIELDS * EMB_DIM)
    # emb_drop: dropout is identity in deterministic reference
    xc = _batchnorm(x_cont, bn_cont_g, bn_cont_b)
    h = jnp.concatenate([x, xc], axis=1)
    h = jax.nn.relu(h @ W1.T + b1)
    h = _batchnorm(h, bn1_g, bn1_b)
    h = jax.nn.relu(h @ W2.T + b2)
    h = _batchnorm(h, bn2_g, bn2_b)
    # inner dropout also identity in deterministic reference
    out = h @ W3.T + b3
    return out

if __name__ == "__main__":
    import jax
    _d = setup_inputs()
    print(jax.jit(kernel)(*tuple(_d.values())))

</pallas_src>

<mosaic_0001>
#map = affine_map<(d0, d1) -> (0, 0, 0)>
#map1 = affine_map<(d0, d1) -> (0, 0)>
module attributes {stable_mosaic.version = 14 : i64} {
  func.func @gk(%arg0: i32, %arg1: i32, %arg2: memref<26x16x100000xf32, #tpu.memory_space<hbm>>, %arg3: memref<26x16384xi32, #tpu.memory_space<hbm>>, %arg4: memref<416x16384xf32, #tpu.memory_space<hbm>>, %arg5: memref<100000xf32, #tpu.memory_space<vmem>>, %arg6: memref<8192xi32, #tpu.memory_space<vmem>>, %arg7: memref<8192xi32, #tpu.memory_space<vmem>>, %arg8: memref<8192xf32, #tpu.memory_space<vmem>>, %arg9: memref<!tpu.dma_semaphore, #tpu.memory_space<semaphore_mem>>, %arg10: memref<!tpu.dma_semaphore, #tpu.memory_space<semaphore_mem>>) attributes {dimension_semantics = [#tpu.dimension_semantics<core_parallel>, #tpu.dimension_semantics<subcore_parallel>], iteration_bounds = array<i64: 2, 16>, scalar_prefetch = 0 : i64, scratch_operands = 6 : i64, tpu.core_type = #tpu.core_type<sc_vector_subcore>, window_params = [{transform_indices = #map}, {transform_indices = #map1}, {transform_indices = #map1}]} {
    %mul3A = arith.constant 2 : i32
    %mul3A_0 = arith.muli %arg1, %mul3A : i32
    %add3A = arith.addi %mul3A_0, %arg0 : i32
    %scan3A = arith.constant 0 : i32
    %scan3A_1 = arith.constant 0 : i32
    %scan3A_2 = arith.constant 13 : i32
    %scan3A_3 = arith.addi %scan3A_1, %scan3A_2 : i32
    %scan3A_4 = arith.constant 1 : i32
    scf.for %scan3A_12 = %scan3A_1 to %scan3A_3 step %scan3A_4  : i32 {
      %mul3A_13 = arith.constant 13 : i32
      %mul3A_14 = arith.muli %add3A, %mul3A_13 : i32
      %add3A_15 = arith.addi %mul3A_14, %scan3A_12 : i32
      %jit3A = arith.constant 16 : i32
      %div3A = arith.divsi %add3A_15, %jit3A : i32
      %sign3A = arith.constant 0 : i32
      %sign3A_16 = arith.cmpi sgt, %add3A_15, %sign3A : i32
      %sign3A_17 = arith.extui %sign3A_16 : i1 to i32
      %sign3A_18 = arith.constant 0 : i32
      %sign3A_19 = arith.cmpi slt, %add3A_15, %sign3A_18 : i32
      %sign3A_20 = arith.extui %sign3A_19 : i1 to i32
      %sign3A_21 = arith.subi %sign3A_17, %sign3A_20 : i32
      %sign3A_22 = arith.constant 0 : i32
      %sign3A_23 = arith.cmpi sgt, %jit3A, %sign3A_22 : i32
      %sign3A_24 = arith.extui %sign3A_23 : i1 to i32
      %sign3A_25 = arith.constant 0 : i32
      %sign3A_26 = arith.cmpi slt, %jit3A, %sign3A_25 : i32
      %sign3A_27 = arith.extui %sign3A_26 : i1 to i32
      %sign3A_28 = arith.subi %sign3A_24, %sign3A_27 : i32
      %ne3A = arith.cmpi ne, %sign3A_21, %sign3A_28 : i32
      %rem3A = arith.remsi %add3A_15, %jit3A : i32
      %ne3A_29 = arith.constant 0 : i32
      %ne3A_30 = arith.cmpi ne, %rem3A, %ne3A_29 : i32
      %and3A = arith.andi %ne3A, %ne3A_30 : i1
      %sub3A = arith.constant 1 : i32
      %sub3A_31 = arith.subi %div3A, %sub3A : i32
      %select_n3A = arith.select %and3A, %sub3A_31, %div3A : i32
      %jit3A_32 = arith.constant 16 : i32
      %eq3A = arith.constant 0 : i32
      %eq3A_33 = arith.cmpi eq, %jit3A_32, %eq3A : i32
      %jit3A_34 = arith.constant 1 : i32
      %select_n3A_35 = arith.select %eq3A_33, %jit3A_34, %jit3A_32 : i32
      %rem3A_36 = arith.remsi %add3A_15, %select_n3A_35 : i32
      %ne3A_37 = arith.constant 0 : i32
      %ne3A_38 = arith.cmpi ne, %rem3A_36, %ne3A_37 : i32
      %lt3A = arith.constant 0 : i32
      %lt3A_39 = arith.cmpi slt, %rem3A_36, %lt3A : i32
      %lt3A_40 = arith.constant 0 : i32
      %lt3A_41 = arith.cmpi slt, %select_n3A_35, %lt3A_40 : i32
      %ne3A_42 = arith.xori %lt3A_39, %lt3A_41 : i1
      %and3A_43 = arith.andi %ne3A_42, %ne3A_38 : i1
      %add3A_44 = arith.addi %rem3A_36, %select_n3A_35 : i32
      %select_n3A_45 = arith.select %and3A_43, %add3A_44, %rem3A_36 : i32
      %dma_start3A = arith.constant 0 : i32
      %dma_start3A_46 = tpu.memref_slice %arg2[%select_n3A, %select_n3A_45, %dma_start3A] : memref<26x16x100000xf32, #tpu.memory_space<hbm>> -> memref<1x1x100000xf32, #tpu.memory_space<hbm>>
      %dma_start3A_47 = tpu.memref_squeeze %dma_start3A_46 : memref<1x1x100000xf32, #tpu.memory_space<hbm>> -> memref<100000xf32, #tpu.memory_space<hbm>>
      %dma_start3A_48 = arith.constant 0 : i32
      %dma_start3A_49 = tpu.memref_slice %arg2[%select_n3A, %select_n3A_45, %dma_start3A_48] : memref<26x16x100000xf32, #tpu.memory_space<hbm>> -> memref<1x1x100000xf32, #tpu.memory_space<hbm>>
      %dma_start3A_50 = tpu.memref_squeeze %dma_start3A_49 : memref<1x1x100000xf32, #tpu.memory_space<hbm>> -> memref<100000xf32, #tpu.memory_space<hbm>>
      tpu.enqueue_dma source(%dma_start3A_50 : memref<100000xf32, #tpu.memory_space<hbm>>) target(%arg5 : memref<100000xf32, #tpu.memory_space<vmem>>) target_semaphore(%arg9 : memref<!tpu.dma_semaphore, #tpu.memory_space<semaphore_mem>>)
      %eq3A_51 = arith.constant 0 : i32
      %eq3A_52 = arith.cmpi eq, %scan3A_12, %eq3A_51 : i32
      %eq3A_53 = arith.constant 0 : i32
      %eq3A_54 = arith.cmpi eq, %select_n3A_45, %eq3A_53 : i32
      %or3A = arith.ori %eq3A_52, %eq3A_54 : i1
      %convert_element_type3A = arith.extui %or3A : i1 to i32
      %cond3A = arith.constant 0 : i32
      %cond3A_55 = arith.cmpi ne, %convert_element_type3A, %cond3A : i32
      scf.if %cond3A_55 {
        "tpu.region"() ({
          %run_scoped3A = tpu.sem_alloc : memref<!tpu.dma_semaphore, #tpu.memory_space<semaphore_mem>>
          %dma_start3A_92 = arith.constant 0 : i32
          %dma_start3A_93 = tpu.memref_slice %arg3[%select_n3A, %dma_start3A_92] : memref<26x16384xi32, #tpu.memory_space<hbm>> -> memref<1x8192xi32, #tpu.memory_space<hbm>>
          %dma_start3A_94 = tpu.memref_squeeze %dma_start3A_93 : memref<1x8192xi32, #tpu.memory_space<hbm>> -> memref<8192xi32, #tpu.memory_space<hbm>>
          %dma_start3A_95 = arith.constant 0 : i32
          %dma_start3A_96 = tpu.memref_slice %arg3[%select_n3A, %dma_start3A_95] : memref<26x16384xi32, #tpu.memory_space<hbm>> -> memref<1x8192xi32, #tpu.memory_space<hbm>>
          %dma_start3A_97 = tpu.memref_squeeze %dma_start3A_96 : memref<1x8192xi32, #tpu.memory_space<hbm>> -> memref<8192xi32, #tpu.memory_space<hbm>>
          tpu.enqueue_dma source(%dma_start3A_97 : memref<8192xi32, #tpu.memory_space<hbm>>) target(%arg6 : memref<8192xi32, #tpu.memory_space<vmem>>) target_semaphore(%run_scoped3A : memref<!tpu.dma_semaphore, #tpu.memory_space<semaphore_mem>>)
          %dma_wait3A_98 = arith.constant 0 : i32
          %dma_wait3A_99 = tpu.memref_slice %arg3[%select_n3A, %dma_wait3A_98] : memref<26x16384xi32, #tpu.memory_space<hbm>> -> memref<1x8192xi32, #tpu.memory_space<hbm>>
          %dma_wait3A_100 = tpu.memref_squeeze %dma_wait3A_99 : memref<1x8192xi32, #tpu.memory_space<hbm>> -> memref<8192xi32, #tpu.memory_space<hbm>>
          %dma_wait3A_101 = arith.constant 0 : i32
          %dma_wait3A_102 = tpu.memref_slice %arg3[%select_n3A, %dma_wait3A_101] : memref<26x16384xi32, #tpu.memory_space<hbm>> -> memref<1x8192xi32, #tpu.memory_space<hbm>>
          %dma_wait3A_103 = tpu.memref_squeeze %dma_wait3A_102 : memref<1x8192xi32, #tpu.memory_space<hbm>> -> memref<8192xi32, #tpu.memory_space<hbm>>
          tpu.wait_dma2 semaphore(%run_scoped3A : memref<!tpu.dma_semaphore, #tpu.memory_space<semaphore_mem>>) src(%dma_wait3A_103 : memref<8192xi32, #tpu.memory_space<hbm>>) dst(%arg6 : memref<8192xi32, #tpu.memory_space<vmem>>)
          tpu.yield
        }) : () -> ()
        "tpu.region"() ({
          %run_scoped3A = tpu.sem_alloc : memref<!tpu.dma_semaphore, #tpu.memory_space<semaphore_mem>>
          %dma_start3A_92 = arith.constant 8192 : i32
          %dma_start3A_93 = tpu.memref_slice %arg3[%select_n3A, %dma_start3A_92] : memref<26x16384xi32, #tpu.memory_space<hbm>> -> memref<1x8192xi32, #tpu.memory_space<hbm>>
          %dma_start3A_94 = tpu.memref_squeeze %dma_start3A_93 : memref<1x8192xi32, #tpu.memory_space<hbm>> -> memref<8192xi32, #tpu.memory_space<hbm>>
          %dma_start3A_95 = arith.constant 8192 : i32
          %dma_start3A_96 = tpu.memref_slice %arg3[%select_n3A, %dma_start3A_95] : memref<26x16384xi32, #tpu.memory_space<hbm>> -> memref<1x8192xi32, #tpu.memory_space<hbm>>
          %dma_start3A_97 = tpu.memref_squeeze %dma_start3A_96 : memref<1x8192xi32, #tpu.memory_space<hbm>> -> memref<8192xi32, #tpu.memory_space<hbm>>
          tpu.enqueue_dma source(%dma_start3A_97 : memref<8192xi32, #tpu.memory_space<hbm>>) target(%arg7 : memref<8192xi32, #tpu.memory_space<vmem>>) target_semaphore(%run_scoped3A : memref<!tpu.dma_semaphore, #tpu.memory_space<semaphore_mem>>)
          %dma_wait3A_98 = arith.constant 8192 : i32
          %dma_wait3A_99 = tpu.memref_slice %arg3[%select_n3A, %dma_wait3A_98] : memref<26x16384xi32, #tpu.memory_space<hbm>> -> memref<1x8192xi32, #tpu.memory_space<hbm>>
          %dma_wait3A_100 = tpu.memref_squeeze %dma_wait3A_99 : memref<1x8192xi32, #tpu.memory_space<hbm>> -> memref<8192xi32, #tpu.memory_space<hbm>>
          %dma_wait3A_101 = arith.constant 8192 : i32
          %dma_wait3A_102 = tpu.memref_slice %arg3[%select_n3A, %dma_wait3A_101] : memref<26x16384xi32, #tpu.memory_space<hbm>> -> memref<1x8192xi32, #tpu.memory_space<hbm>>
          %dma_wait3A_103 = tpu.memref_squeeze %dma_wait3A_102 : memref<1x8192xi32, #tpu.memory_space<hbm>> -> memref<8192xi32, #tpu.memory_space<hbm>>
          tpu.wait_dma2 semaphore(%run_scoped3A : memref<!tpu.dma_semaphore, #tpu.memory_space<semaphore_mem>>) src(%dma_wait3A_103 : memref<8192xi32, #tpu.memory_space<hbm>>) dst(%arg7 : memref<8192xi32, #tpu.memory_space<vmem>>)
          tpu.yield
        }) : () -> ()
      } else {
      }
      %dma_wait3A_56 = arith.constant 0 : i32
      %dma_wait3A_57 = tpu.memref_slice %arg2[%select_n3A, %select_n3A_45, %dma_wait3A_56] : memref<26x16x100000xf32, #tpu.memory_space<hbm>> -> memref<1x1x100000xf32, #tpu.memory_space<hbm>>
      %dma_wait3A_58 = tpu.memref_squeeze %dma_wait3A_57 : memref<1x1x100000xf32, #tpu.memory_space<hbm>> -> memref<100000xf32, #tpu.memory_space<hbm>>
      %dma_wait3A_59 = arith.constant 0 : i32
      %dma_wait3A_60 = tpu.memref_slice %arg2[%select_n3A, %select_n3A_45, %dma_wait3A_59] : memref<26x16x100000xf32, #tpu.memory_space<hbm>> -> memref<1x1x100000xf32, #tpu.memory_space<hbm>>
      %dma_wait3A_61 = tpu.memref_squeeze %dma_wait3A_60 : memref<1x1x100000xf32, #tpu.memory_space<hbm>> -> memref<100000xf32, #tpu.memory_space<hbm>>
      tpu.wait_dma2 semaphore(%arg9 : memref<!tpu.dma_semaphore, #tpu.memory_space<semaphore_mem>>) src(%dma_wait3A_61 : memref<100000xf32, #tpu.memory_space<hbm>>) dst(%arg5 : memref<100000xf32, #tpu.memory_space<vmem>>)
      %gt3A = arith.constant 0 : i32
      %gt3A_62 = arith.cmpi sgt, %scan3A_12, %gt3A : i32
      %or3A_63 = arith.constant false
      %or3A_64 = arith.ori %gt3A_62, %or3A_63 : i1
      %convert_element_type3A_65 = arith.extui %or3A_64 : i1 to i32
      %cond3A_66 = arith.constant 0 : i32
      %cond3A_67 = arith.cmpi ne, %convert_element_type3A_65, %cond3A_66 : i32
      scf.if %cond3A_67 {
        %dma_wait3A_92 = arith.constant 0 : i32
        %dma_wait3A_93 = tpu.memref_slice %arg4[%add3A_15, %dma_wait3A_92] : memref<416x16384xf32, #tpu.memory_space<hbm>> -> memref<1x8192xf32, #tpu.memory_space<hbm>>
        %dma_wait3A_94 = tpu.memref_squeeze %dma_wait3A_93 : memref<1x8192xf32, #tpu.memory_space<hbm>> -> memref<8192xf32, #tpu.memory_space<hbm>>
        %dma_wait3A_95 = arith.constant 0 : i32
        %dma_wait3A_96 = tpu.memref_slice %arg4[%add3A_15, %dma_wait3A_95] : memref<416x16384xf32, #tpu.memory_space<hbm>> -> memref<1x8192xf32, #tpu.memory_space<hbm>>
        %dma_wait3A_97 = tpu.memref_squeeze %dma_wait3A_96 : memref<1x8192xf32, #tpu.memory_space<hbm>> -> memref<8192xf32, #tpu.memory_space<hbm>>
        tpu.wait_dma2 semaphore(%arg10 : memref<!tpu.dma_semaphore, #tpu.memory_space<semaphore_mem>>) src(%arg8 : memref<8192xf32, #tpu.memory_space<vmem>>) dst(%dma_wait3A_97 : memref<8192xf32, #tpu.memory_space<hbm>>)
      } else {
      }
      %parallel_loop3A = arith.constant 0 : i32
      %parallel_loop3A_68 = arith.constant 32 : i32
      %parallel_loop3A_69 = arith.constant 1 : i32
      scf.for %parallel_loop3A_92 = %parallel_loop3A to %parallel_loop3A_68 step %parallel_loop3A_69  : i32 {
        %parallel_loop3A_93 = arith.constant 256 : i32
        %parallel_loop3A_94 = arith.muli %parallel_loop3A_92, %parallel_loop3A_93 : i32
        %parallel_loop3A_95 = arith.constant 0 : i32
        %parallel_loop3A_96 = arith.addi %parallel_loop3A_94, %parallel_loop3A_95 : i32
        %parallel_loop3A_97 = arith.index_cast %parallel_loop3A_96 : i32 to index
        %parallel_loop3A_98 = tpu.vector_load %arg6[%parallel_loop3A_97] {strides = array<i32>} : memref<8192xi32, #tpu.memory_space<vmem>>, vector<16xi32>,
        %parallel_loop3A_99 = arith.constant 16 : i32
        %parallel_loop3A_100 = arith.addi %parallel_loop3A_94, %parallel_loop3A_99 : i32
        %parallel_loop3A_101 = arith.index_cast %parallel_loop3A_100 : i32 to index
        %parallel_loop3A_102 = tpu.vector_load %arg6[%parallel_loop3A_101] {strides = array<i32>} : memref<8192xi32, #tpu.memory_space<vmem>>, vector<16xi32>,
        %parallel_loop3A_103 = arith.constant 32 : i32
        %parallel_loop3A_104 = arith.addi %parallel_loop3A_94, %parallel_loop3A_103 : i32
        %parallel_loop3A_105 = arith.index_cast %parallel_loop3A_104 : i32 to index
        %parallel_loop3A_106 = tpu.vector_load %arg6[%parallel_loop3A_105] {strides = array<i32>} : memref<8192xi32, #tpu.memory_space<vmem>>, vector<16xi32>,
        %parallel_loop3A_107 = arith.constant 48 : i32
        %parallel_loop3A_108 = arith.addi %parallel_loop3A_94, %parallel_loop3A_107 : i32
        %parallel_loop3A_109 = arith.index_cast %parallel_loop3A_108 : i32 to index
        %parallel_loop3A_110 = tpu.vector_load %arg6[%parallel_loop3A_109] {strides = array<i32>} : memref<8192xi32, #tpu.memory_space<vmem>>, vector<16xi32>,
        %parallel_loop3A_111 = arith.constant 64 : i32
        %parallel_loop3A_112 = arith.addi %parallel_loop3A_94, %parallel_loop3A_111 : i32
        %parallel_loop3A_113 = arith.index_cast %parallel_loop3A_112 : i32 to index
        %parallel_loop3A_114 = tpu.vector_load %arg6[%parallel_loop3A_113] {strides = array<i32>} : memref<8192xi32, #tpu.memory_space<vmem>>, vector<16xi32>,
        %parallel_loop3A_115 = arith.constant 80 : i32
        %parallel_loop3A_116 = arith.addi %parallel_loop3A_94, %parallel_loop3A_115 : i32
        %parallel_loop3A_117 = arith.index_cast %parallel_loop3A_116 : i32 to index
        %parallel_loop3A_118 = tpu.vector_load %arg6[%parallel_loop3A_117] {strides = array<i32>} : memref<8192xi32, #tpu.memory_space<vmem>>, vector<16xi32>,
        %parallel_loop3A_119 = arith.constant 96 : i32
        %parallel_loop3A_120 = arith.addi %parallel_loop3A_94, %parallel_loop3A_119 : i32
        %parallel_loop3A_121 = arith.index_cast %parallel_loop3A_120 : i32 to index
        %parallel_loop3A_122 = tpu.vector_load %arg6[%parallel_loop3A_121] {strides = array<i32>} : memref<8192xi32, #tpu.memory_space<vmem>>, vector<16xi32>,
        %parallel_loop3A_123 = arith.constant 112 : i32
        %parallel_loop3A_124 = arith.addi %parallel_loop3A_94, %parallel_loop3A_123 : i32
        %parallel_loop3A_125 = arith.index_cast %parallel_loop3A_124 : i32 to index
        %parallel_loop3A_126 = tpu.vector_load %arg6[%parallel_loop3A_125] {strides = array<i32>} : memref<8192xi32, #tpu.memory_space<vmem>>, vector<16xi32>,
        %parallel_loop3A_127 = arith.constant 128 : i32
        %parallel_loop3A_128 = arith.addi %parallel_loop3A_94, %parallel_loop3A_127 : i32
        %parallel_loop3A_129 = arith.index_cast %parallel_loop3A_128 : i32 to index
        %parallel_loop3A_130 = tpu.vector_load %arg6[%parallel_loop3A_129] {strides = array<i32>} : memref<8192xi32, #tpu.memory_space<vmem>>, vector<16xi32>,
        %parallel_loop3A_131 = arith.constant 144 : i32
        %parallel_loop3A_132 = arith.addi %parallel_loop3A_94, %parallel_loop3A_131 : i32
        %parallel_loop3A_133 = arith.index_cast %parallel_loop3A_132 : i32 to index
        %parallel_loop3A_134 = tpu.vector_load %arg6[%parallel_loop3A_133] {strides = array<i32>} : memref<8192xi32, #tpu.memory_space<vmem>>, vector<16xi32>,
        %parallel_loop3A_135 = arith.constant 160 : i32
        %parallel_loop3A_136 = arith.addi %parallel_loop3A_94, %parallel_loop3A_135 : i32
        %parallel_loop3A_137 = arith.index_cast %parallel_loop3A_136 : i32 to index
        %parallel_loop3A_138 = tpu.vector_load %arg6[%parallel_loop3A_137] {strides = array<i32>} : memref<8192xi32, #tpu.memory_space<vmem>>, vector<16xi32>,
        %parallel_loop3A_139 = arith.constant 176 : i32
        %parallel_loop3A_140 = arith.addi %parallel_loop3A_94, %parallel_loop3A_139 : i32
        %parallel_loop3A_141 = arith.index_cast %parallel_loop3A_140 : i32 to index
        %parallel_loop3A_142 = tpu.vector_load %arg6[%parallel_loop3A_141] {strides = array<i32>} : memref<8192xi32, #tpu.memory_space<vmem>>, vector<16xi32>,
        %parallel_loop3A_143 = arith.constant 192 : i32
        %parallel_loop3A_144 = arith.addi %parallel_loop3A_94, %parallel_loop3A_143 : i32
        %parallel_loop3A_145 = arith.index_cast %parallel_loop3A_144 : i32 to index
        %parallel_loop3A_146 = tpu.vector_load %arg6[%parallel_loop3A_145] {strides = array<i32>} : memref<8192xi32, #tpu.memory_space<vmem>>, vector<16xi32>,
        %parallel_loop3A_147 = arith.constant 208 : i32
        %parallel_loop3A_148 = arith.addi %parallel_loop3A_94, %parallel_loop3A_147 : i32
        %parallel_loop3A_149 = arith.index_cast %parallel_loop3A_148 : i32 to index
        %parallel_loop3A_150 = tpu.vector_load %arg6[%parallel_loop3A_149] {strides = array<i32>} : memref<8192xi32, #tpu.memory_space<vmem>>, vector<16xi32>,
        %parallel_loop3A_151 = arith.constant 224 : i32
        %parallel_loop3A_152 = arith.addi %parallel_loop3A_94, %parallel_loop3A_151 : i32
        %parallel_loop3A_153 = arith.index_cast %parallel_loop3A_152 : i32 to index
        %parallel_loop3A_154 = tpu.vector_load %arg6[%parallel_loop3A_153] {strides = array<i32>} : memref<8192xi32, #tpu.memory_space<vmem>>, vector<16xi32>,
        %parallel_loop3A_155 = arith.constant 240 : i32
        %parallel_loop3A_156 = arith.addi %parallel_loop3A_94, %parallel_loop3A_155 : i32
        %parallel_loop3A_157 = arith.index_cast %parallel_loop3A_156 : i32 to index
        %parallel_loop3A_158 = tpu.vector_load %arg6[%parallel_loop3A_157] {strides = array<i32>} : memref<8192xi32, #tpu.memory_space<vmem>>, vector<16xi32>,
        %parallel_loop3A_159 = tpu.vector_load_idx %arg5[%parallel_loop3A_98] : memref<100000xf32, #tpu.memory_space<vmem>>[vector<16xi32>], vector<16xf32>,
        %parallel_loop3A_160 = tpu.vector_load_idx %arg5[%parallel_loop3A_102] : memref<100000xf32, #tpu.memory_space<vmem>>[vector<16xi32>], vector<16xf32>,
        %parallel_loop3A_161 = tpu.vector_load_idx %arg5[%parallel_loop3A_106] : memref<100000xf32, #tpu.memory_space<vmem>>[vector<16xi32>], vector<16xf32>,
        %parallel_loop3A_162 = tpu.vector_load_idx %arg5[%parallel_loop3A_110] : memref<100000xf32, #tpu.memory_space<vmem>>[vector<16xi32>], vector<16xf32>,
        %parallel_loop3A_163 = tpu.vector_load_idx %arg5[%parallel_loop3A_114] : memref<100000xf32, #tpu.memory_space<vmem>>[vector<16xi32>], vector<16xf32>,
        %parallel_loop3A_164 = tpu.vector_load_idx %arg5[%parallel_loop3A_118] : memref<100000xf32, #tpu.memory_space<vmem>>[vector<16xi32>], vector<16xf32>,
        %parallel_loop3A_165 = tpu.vector_load_idx %arg5[%parallel_loop3A_122] : memref<100000xf32, #tpu.memory_space<vmem>>[vector<16xi32>], vector<16xf32>,
        %parallel_loop3A_166 = tpu.vector_load_idx %arg5[%parallel_loop3A_126] : memref<100000xf32, #tpu.memory_space<vmem>>[vector<16xi32>], vector<16xf32>,
        %parallel_loop3A_167 = tpu.vector_load_idx %arg5[%parallel_loop3A_130] : memref<100000xf32, #tpu.memory_space<vmem>>[vector<16xi32>], vector<16xf32>,
        %parallel_loop3A_168 = tpu.vector_load_idx %arg5[%parallel_loop3A_134] : memref<100000xf32, #tpu.memory_space<vmem>>[vector<16xi32>], vector<16xf32>,
        %parallel_loop3A_169 = tpu.vector_load_idx %arg5[%parallel_loop3A_138] : memref<100000xf32, #tpu.memory_space<vmem>>[vector<16xi32>], vector<16xf32>,
        %parallel_loop3A_170 = tpu.vector_load_idx %arg5[%parallel_loop3A_142] : memref<100000xf32, #tpu.memory_space<vmem>>[vector<16xi32>], vector<16xf32>,
        %parallel_loop3A_171 = tpu.vector_load_idx %arg5[%parallel_loop3A_146] : memref<100000xf32, #tpu.memory_space<vmem>>[vector<16xi32>], vector<16xf32>,
        %parallel_loop3A_172 = tpu.vector_load_idx %arg5[%parallel_loop3A_150] : memref<100000xf32, #tpu.memory_space<vmem>>[vector<16xi32>], vector<16xf32>,
        %parallel_loop3A_173 = tpu.vector_load_idx %arg5[%parallel_loop3A_154] : memref<100000xf32, #tpu.memory_space<vmem>>[vector<16xi32>], vector<16xf32>,
        %parallel_loop3A_174 = tpu.vector_load_idx %arg5[%parallel_loop3A_158] : memref<100000xf32, #tpu.memory_space<vmem>>[vector<16xi32>], vector<16xf32>,
        %parallel_loop3A_175 = arith.constant 0 : i32
        %parallel_loop3A_176 = arith.addi %parallel_loop3A_94, %parallel_loop3A_175 : i32
        %parallel_loop3A_177 = arith.index_cast %parallel_loop3A_176 : i32 to index
        %parallel_loop3A_178 = tpu.vector_load %arg8[%parallel_loop3A_177] {strides = array<i32>} : memref<8192xf32, #tpu.memory_space<vmem>>, vector<16xf32>,
        tpu.vector_store %arg8[%parallel_loop3A_177], %parallel_loop3A_159 {strides = array<i32>} : memref<8192xf32, #tpu.memory_space<vmem>>, vector<16xf32>,
        %parallel_loop3A_179 = arith.constant 16 : i32
        %parallel_loop3A_180 = arith.addi %parallel_loop3A_94, %parallel_loop3A_179 : i32
        %parallel_loop3A_181 = arith.index_cast %parallel_loop3A_180 : i32 to index
        %parallel_loop3A_182 = tpu.vector_load %arg8[%parallel_loop3A_181] {strides = array<i32>} : memref<8192xf32, #tpu.memory_space<vmem>>, vector<16xf32>,
        tpu.vector_store %arg8[%parallel_loop3A_181], %parallel_loop3A_160 {strides = array<i32>} : memref<8192xf32, #tpu.memory_space<vmem>>, vector<16xf32>,
        %parallel_loop3A_183 = arith.constant 32 : i32
        %parallel_loop3A_184 = arith.addi %parallel_loop3A_94, %parallel_loop3A_183 : i32
        %parallel_loop3A_185 = arith.index_cast %parallel_loop3A_184 : i32 to index
        %parallel_loop3A_186 = tpu.vector_load %arg8[%parallel_loop3A_185] {strides = array<i32>} : memref<8192xf32, #tpu.memory_space<vmem>>, vector<16xf32>,
        tpu.vector_store %arg8[%parallel_loop3A_185], %parallel_loop3A_161 {strides = array<i32>} : memref<8192xf32, #tpu.memory_space<vmem>>, vector<16xf32>,
        %parallel_loop3A_187 = arith.constant 48 : i32
        %parallel_loop3A_188 = arith.addi %parallel_loop3A_94, %parallel_loop3A_187 : i32
        %parallel_loop3A_189 = arith.index_cast %parallel_loop3A_188 : i32 to index
        %parallel_loop3A_190 = tpu.vector_load %arg8[%parallel_loop3A_189] {strides = array<i32>} : memref<8192xf32, #tpu.memory_space<vmem>>, vector<16xf32>,
        tpu.vector_store %arg8[%parallel_loop3A_189], %parallel_loop3A_162 {strides = array<i32>} : memref<8192xf32, #tpu.memory_space<vmem>>, vector<16xf32>,
        %parallel_loop3A_191 = arith.constant 64 : i32
        %parallel_loop3A_192 = arith.addi %parallel_loop3A_94, %parallel_loop3A_191 : i32
        %parallel_loop3A_193 = arith.index_cast %parallel_loop3A_192 : i32 to index
        %parallel_loop3A_194 = tpu.vector_load %arg8[%parallel_loop3A_193] {strides = array<i32>} : memref<8192xf32, #tpu.memory_space<vmem>>, vector<16xf32>,
        tpu.vector_store %arg8[%parallel_loop3A_193], %parallel_loop3A_163 {strides = array<i32>} : memref<8192xf32, #tpu.memory_space<vmem>>, vector<16xf32>,
        %parallel_loop3A_195 = arith.constant 80 : i32
        %parallel_loop3A_196 = arith.addi %parallel_loop3A_94, %parallel_loop3A_195 : i32
        %parallel_loop3A_197 = arith.index_cast %parallel_loop3A_196 : i32 to index
        %parallel_loop3A_198 = tpu.vector_load %arg8[%parallel_loop3A_197] {strides = array<i32>} : memref<8192xf32, #tpu.memory_space<vmem>>, vector<16xf32>,
        tpu.vector_store %arg8[%parallel_loop3A_197], %parallel_loop3A_164 {strides = array<i32>} : memref<8192xf32, #tpu.memory_space<vmem>>, vector<16xf32>,
        %parallel_loop3A_199 = arith.constant 96 : i32
        %parallel_loop3A_200 = arith.addi %parallel_loop3A_94, %parallel_loop3A_199 : i32
        %parallel_loop3A_201 = arith.index_cast %parallel_loop3A_200 : i32 to index
        %parallel_loop3A_202 = tpu.vector_load %arg8[%parallel_loop3A_201] {strides = array<i32>} : memref<8192xf32, #tpu.memory_space<vmem>>, vector<16xf32>,
        tpu.vector_store %arg8[%parallel_loop3A_201], %parallel_loop3A_165 {strides = array<i32>} : memref<8192xf32, #tpu.memory_space<vmem>>, vector<16xf32>,
        %parallel_loop3A_203 = arith.constant 112 : i32
        %parallel_loop3A_204 = arith.addi %parallel_loop3A_94, %parallel_loop3A_203 : i32
        %parallel_loop3A_205 = arith.index_cast %parallel_loop3A_204 : i32 to index
        %parallel_loop3A_206 = tpu.vector_load %arg8[%parallel_loop3A_205] {strides = array<i32>} : memref<8192xf32, #tpu.memory_space<vmem>>, vector<16xf32>,
        tpu.vector_store %arg8[%parallel_loop3A_205], %parallel_loop3A_166 {strides = array<i32>} : memref<8192xf32, #tpu.memory_space<vmem>>, vector<16xf32>,
        %parallel_loop3A_207 = arith.constant 128 : i32
        %parallel_loop3A_208 = arith.addi %parallel_loop3A_94, %parallel_loop3A_207 : i32
        %parallel_loop3A_209 = arith.index_cast %parallel_loop3A_208 : i32 to index
        %parallel_loop3A_210 = tpu.vector_load %arg8[%parallel_loop3A_209] {strides = array<i32>} : memref<8192xf32, #tpu.memory_space<vmem>>, vector<16xf32>,
        tpu.vector_store %arg8[%parallel_loop3A_209], %parallel_loop3A_167 {strides = array<i32>} : memref<8192xf32, #tpu.memory_space<vmem>>, vector<16xf32>,
        %parallel_loop3A_211 = arith.constant 144 : i32
        %parallel_loop3A_212 = arith.addi %parallel_loop3A_94, %parallel_loop3A_211 : i32
        %parallel_loop3A_213 = arith.index_cast %parallel_loop3A_212 : i32 to index
        %parallel_loop3A_214 = tpu.vector_load %arg8[%parallel_loop3A_213] {strides = array<i32>} : memref<8192xf32, #tpu.memory_space<vmem>>, vector<16xf32>,
        tpu.vector_store %arg8[%parallel_loop3A_213], %parallel_loop3A_168 {strides = array<i32>} : memref<8192xf32, #tpu.memory_space<vmem>>, vector<16xf32>,
        %parallel_loop3A_215 = arith.constant 160 : i32
        %parallel_loop3A_216 = arith.addi %parallel_loop3A_94, %parallel_loop3A_215 : i32
        %parallel_loop3A_217 = arith.index_cast %parallel_loop3A_216 : i32 to index
        %parallel_loop3A_218 = tpu.vector_load %arg8[%parallel_loop3A_217] {strides = array<i32>} : memref<8192xf32, #tpu.memory_space<vmem>>, vector<16xf32>,
        tpu.vector_store %arg8[%parallel_loop3A_217], %parallel_loop3A_169 {strides = array<i32>} : memref<8192xf32, #tpu.memory_space<vmem>>, vector<16xf32>,
        %parallel_loop3A_219 = arith.constant 176 : i32
        %parallel_loop3A_220 = arith.addi %parallel_loop3A_94, %parallel_loop3A_219 : i32
        %parallel_loop3A_221 = arith.index_cast %parallel_loop3A_220 : i32 to index
        %parallel_loop3A_222 = tpu.vector_load %arg8[%parallel_loop3A_221] {strides = array<i32>} : memref<8192xf32, #tpu.memory_space<vmem>>, vector<16xf32>,
        tpu.vector_store %arg8[%parallel_loop3A_221], %parallel_loop3A_170 {strides = array<i32>} : memref<8192xf32, #tpu.memory_space<vmem>>, vector<16xf32>,
        %parallel_loop3A_223 = arith.constant 192 : i32
        %parallel_loop3A_224 = arith.addi %parallel_loop3A_94, %parallel_loop3A_223 : i32
        %parallel_loop3A_225 = arith.index_cast %parallel_loop3A_224 : i32 to index
        %parallel_loop3A_226 = tpu.vector_load %arg8[%parallel_loop3A_225] {strides = array<i32>} : memref<8192xf32, #tpu.memory_space<vmem>>, vector<16xf32>,
        tpu.vector_store %arg8[%parallel_loop3A_225], %parallel_loop3A_171 {strides = array<i32>} : memref<8192xf32, #tpu.memory_space<vmem>>, vector<16xf32>,
        %parallel_loop3A_227 = arith.constant 208 : i32
        %parallel_loop3A_228 = arith.addi %parallel_loop3A_94, %parallel_loop3A_227 : i32
        %parallel_loop3A_229 = arith.index_cast %parallel_loop3A_228 : i32 to index
        %parallel_loop3A_230 = tpu.vector_load %arg8[%parallel_loop3A_229] {strides = array<i32>} : memref<8192xf32, #tpu.memory_space<vmem>>, vector<16xf32>,
        tpu.vector_store %arg8[%parallel_loop3A_229], %parallel_loop3A_172 {strides = array<i32>} : memref<8192xf32, #tpu.memory_space<vmem>>, vector<16xf32>,
        %parallel_loop3A_231 = arith.constant 224 : i32
        %parallel_loop3A_232 = arith.addi %parallel_loop3A_94, %parallel_loop3A_231 : i32
        %parallel_loop3A_233 = arith.index_cast %parallel_loop3A_232 : i32 to index
        %parallel_loop3A_234 = tpu.vector_load %arg8[%parallel_loop3A_233] {strides = array<i32>} : memref<8192xf32, #tpu.memory_space<vmem>>, vector<16xf32>,
        tpu.vector_store %arg8[%parallel_loop3A_233], %parallel_loop3A_173 {strides = array<i32>} : memref<8192xf32, #tpu.memory_space<vmem>>, vector<16xf32>,
        %parallel_loop3A_235 = arith.constant 240 : i32
        %parallel_loop3A_236 = arith.addi %parallel_loop3A_94, %parallel_loop3A_235 : i32
        %parallel_loop3A_237 = arith.index_cast %parallel_loop3A_236 : i32 to index
        %parallel_loop3A_238 = tpu.vector_load %arg8[%parallel_loop3A_237] {strides = array<i32>} : memref<8192xf32, #tpu.memory_space<vmem>>, vector<16xf32>,
        tpu.vector_store %arg8[%parallel_loop3A_237], %parallel_loop3A_174 {strides = array<i32>} : memref<8192xf32, #tpu.memory_space<vmem>>, vector<16xf32>,
      } {sc.loop_unroll_factor = 1 : i64, sc.parallel_access}
      %dma_start3A_70 = arith.constant 0 : i32
      %dma_start3A_71 = tpu.memref_slice %arg4[%add3A_15, %dma_start3A_70] : memref<416x16384xf32, #tpu.memory_space<hbm>> -> memref<1x8192xf32, #tpu.memory_space<hbm>>
      %dma_start3A_72 = tpu.memref_squeeze %dma_start3A_71 : memref<1x8192xf32, #tpu.memory_space<hbm>> -> memref<8192xf32, #tpu.memory_space<hbm>>
      %dma_start3A_73 = arith.constant 0 : i32
      %dma_start3A_74 = tpu.memref_slice %arg4[%add3A_15, %dma_start3A_73] : memref<416x16384xf32, #tpu.memory_space<hbm>> -> memref<1x8192xf32, #tpu.memory_space<hbm>>
      %dma_start3A_75 = tpu.memref_squeeze %dma_start3A_74 : memref<1x8192xf32, #tpu.memory_space<hbm>> -> memref<8192xf32, #tpu.memory_space<hbm>>
      tpu.enqueue_dma source(%arg8 : memref<8192xf32, #tpu.memory_space<vmem>>) target(%dma_start3A_75 : memref<8192xf32, #tpu.memory_space<hbm>>) target_semaphore(%arg10 : memref<!tpu.dma_semaphore, #tpu.memory_space<semaphore_mem>>)
      %gt3A_76 = arith.constant 0 : i32
      %gt3A_77 = arith.cmpi sgt, %scan3A_12, %gt3A_76 : i32
      %or3A_78 = arith.constant true
      %or3A_79 = arith.ori %gt3A_77, %or3A_78 : i1
      %convert_element_type3A_80 = arith.extui %or3A_79 : i1 to i32
      %cond3A_81 = arith.constant 0 : i32
      %cond3A_82 = arith.cmpi ne, %convert_element_type3A_80, %cond3A_81 : i32
      scf.if %cond3A_82 {
        %dma_wait3A_92 = arith.constant 8192 : i32
        %dma_wait3A_93 = tpu.memref_slice %arg4[%add3A_15, %dma_wait3A_92] : memref<416x16384xf32, #tpu.memory_space<hbm>> -> memref<1x8192xf32, #tpu.memory_space<hbm>>
        %dma_wait3A_94 = tpu.memref_squeeze %dma_wait3A_93 : memref<1x8192xf32, #tpu.memory_space<hbm>> -> memref<8192xf32, #tpu.memory_space<hbm>>
        %dma_wait3A_95 = arith.constant 8192 : i32
        %dma_wait3A_96 = tpu.memref_slice %arg4[%add3A_15, %dma_wait3A_95] : memref<416x16384xf32, #tpu.memory_space<hbm>> -> memref<1x8192xf32, #tpu.memory_space<hbm>>
        %dma_wait3A_97 = tpu.memref_squeeze %dma_wait3A_96 : memref<1x8192xf32, #tpu.memory_space<hbm>> -> memref<8192xf32, #tpu.memory_space<hbm>>
        tpu.wait_dma2 semaphore(%arg10 : memref<!tpu.dma_semaphore, #tpu.memory_space<semaphore_mem>>) src(%arg8 : memref<8192xf32, #tpu.memory_space<vmem>>) dst(%dma_wait3A_97 : memref<8192xf32, #tpu.memory_space<hbm>>)
      } else {
      }
      %parallel_loop3A_83 = arith.constant 0 : i32
      %parallel_loop3A_84 = arith.constant 32 : i32
      %parallel_loop3A_85 = arith.constant 1 : i32
      scf.for %parallel_loop3A_92 = %parallel_loop3A_83 to %parallel_loop3A_84 step %parallel_loop3A_85  : i32 {
        %parallel_loop3A_93 = arith.constant 256 : i32
        %parallel_loop3A_94 = arith.muli %parallel_loop3A_92, %parallel_loop3A_93 : i32
        %parallel_loop3A_95 = arith.constant 0 : i32
        %parallel_loop3A_96 = arith.addi %parallel_loop3A_94, %parallel_loop3A_95 : i32
        %parallel_loop3A_97 = arith.index_cast %parallel_loop3A_96 : i32 to index
        %parallel_loop3A_98 = tpu.vector_load %arg7[%parallel_loop3A_97] {strides = array<i32>} : memref<8192xi32, #tpu.memory_space<vmem>>, vector<16xi32>,
        %parallel_loop3A_99 = arith.constant 16 : i32
        %parallel_loop3A_100 = arith.addi %parallel_loop3A_94, %parallel_loop3A_99 : i32
        %parallel_loop3A_101 = arith.index_cast %parallel_loop3A_100 : i32 to index
        %parallel_loop3A_102 = tpu.vector_load %arg7[%parallel_loop3A_101] {strides = array<i32>} : memref<8192xi32, #tpu.memory_space<vmem>>, vector<16xi32>,
        %parallel_loop3A_103 = arith.constant 32 : i32
        %parallel_loop3A_104 = arith.addi %parallel_loop3A_94, %parallel_loop3A_103 : i32
        %parallel_loop3A_105 = arith.index_cast %parallel_loop3A_104 : i32 to index
        %parallel_loop3A_106 = tpu.vector_load %arg7[%parallel_loop3A_105] {strides = array<i32>} : memref<8192xi32, #tpu.memory_space<vmem>>, vector<16xi32>,
        %parallel_loop3A_107 = arith.constant 48 : i32
        %parallel_loop3A_108 = arith.addi %parallel_loop3A_94, %parallel_loop3A_107 : i32
        %parallel_loop3A_109 = arith.index_cast %parallel_loop3A_108 : i32 to index
        %parallel_loop3A_110 = tpu.vector_load %arg7[%parallel_loop3A_109] {strides = array<i32>} : memref<8192xi32, #tpu.memory_space<vmem>>, vector<16xi32>,
        %parallel_loop3A_111 = arith.constant 64 : i32
        %parallel_loop3A_112 = arith.addi %parallel_loop3A_94, %parallel_loop3A_111 : i32
        %parallel_loop3A_113 = arith.index_cast %parallel_loop3A_112 : i32 to index
        %parallel_loop3A_114 = tpu.vector_load %arg7[%parallel_loop3A_113] {strides = array<i32>} : memref<8192xi32, #tpu.memory_space<vmem>>, vector<16xi32>,
        %parallel_loop3A_115 = arith.constant 80 : i32
        %parallel_loop3A_116 = arith.addi %parallel_loop3A_94, %parallel_loop3A_115 : i32
        %parallel_loop3A_117 = arith.index_cast %parallel_loop3A_116 : i32 to index
        %parallel_loop3A_118 = tpu.vector_load %arg7[%parallel_loop3A_117] {strides = array<i32>} : memref<8192xi32, #tpu.memory_space<vmem>>, vector<16xi32>,
        %parallel_loop3A_119 = arith.constant 96 : i32
        %parallel_loop3A_120 = arith.addi %parallel_loop3A_94, %parallel_loop3A_119 : i32
        %parallel_loop3A_121 = arith.index_cast %parallel_loop3A_120 : i32 to index
        %parallel_loop3A_122 = tpu.vector_load %arg7[%parallel_loop3A_121] {strides = array<i32>} : memref<8192xi32, #tpu.memory_space<vmem>>, vector<16xi32>,
        %parallel_loop3A_123 = arith.constant 112 : i32
        %parallel_loop3A_124 = arith.addi %parallel_loop3A_94, %parallel_loop3A_123 : i32
        %parallel_loop3A_125 = arith.index_cast %parallel_loop3A_124 : i32 to index
        %parallel_loop3A_126 = tpu.vector_load %arg7[%parallel_loop3A_125] {strides = array<i32>} : memref<8192xi32, #tpu.memory_space<vmem>>, vector<16xi32>,
        %parallel_loop3A_127 = arith.constant 128 : i32
        %parallel_loop3A_128 = arith.addi %parallel_loop3A_94, %parallel_loop3A_127 : i32
        %parallel_loop3A_129 = arith.index_cast %parallel_loop3A_128 : i32 to index
        %parallel_loop3A_130 = tpu.vector_load %arg7[%parallel_loop3A_129] {strides = array<i32>} : memref<8192xi32, #tpu.memory_space<vmem>>, vector<16xi32>,
        %parallel_loop3A_131 = arith.constant 144 : i32
        %parallel_loop3A_132 = arith.addi %parallel_loop3A_94, %parallel_loop3A_131 : i32
        %parallel_loop3A_133 = arith.index_cast %parallel_loop3A_132 : i32 to index
        %parallel_loop3A_134 = tpu.vector_load %arg7[%parallel_loop3A_133] {strides = array<i32>} : memref<8192xi32, #tpu.memory_space<vmem>>, vector<16xi32>,
        %parallel_loop3A_135 = arith.constant 160 : i32
        %parallel_loop3A_136 = arith.addi %parallel_loop3A_94, %parallel_loop3A_135 : i32
        %parallel_loop3A_137 = arith.index_cast %parallel_loop3A_136 : i32 to index
        %parallel_loop3A_138 = tpu.vector_load %arg7[%parallel_loop3A_137] {strides = array<i32>} : memref<8192xi32, #tpu.memory_space<vmem>>, vector<16xi32>,
        %parallel_loop3A_139 = arith.constant 176 : i32
        %parallel_loop3A_140 = arith.addi %parallel_loop3A_94, %parallel_loop3A_139 : i32
        %parallel_loop3A_141 = arith.index_cast %parallel_loop3A_140 : i32 to index
        %parallel_loop3A_142 = tpu.vector_load %arg7[%parallel_loop3A_141] {strides = array<i32>} : memref<8192xi32, #tpu.memory_space<vmem>>, vector<16xi32>,
        %parallel_loop3A_143 = arith.constant 192 : i32
        %parallel_loop3A_144 = arith.addi %parallel_loop3A_94, %parallel_loop3A_143 : i32
        %parallel_loop3A_145 = arith.index_cast %parallel_loop3A_144 : i32 to index
        %parallel_loop3A_146 = tpu.vector_load %arg7[%parallel_loop3A_145] {strides = array<i32>} : memref<8192xi32, #tpu.memory_space<vmem>>, vector<16xi32>,
        %parallel_loop3A_147 = arith.constant 208 : i32
        %parallel_loop3A_148 = arith.addi %parallel_loop3A_94, %parallel_loop3A_147 : i32
        %parallel_loop3A_149 = arith.index_cast %parallel_loop3A_148 : i32 to index
        %parallel_loop3A_150 = tpu.vector_load %arg7[%parallel_loop3A_149] {strides = array<i32>} : memref<8192xi32, #tpu.memory_space<vmem>>, vector<16xi32>,
        %parallel_loop3A_151 = arith.constant 224 : i32
        %parallel_loop3A_152 = arith.addi %parallel_loop3A_94, %parallel_loop3A_151 : i32
        %parallel_loop3A_153 = arith.index_cast %parallel_loop3A_152 : i32 to index
        %parallel_loop3A_154 = tpu.vector_load %arg7[%parallel_loop3A_153] {strides = array<i32>} : memref<8192xi32, #tpu.memory_space<vmem>>, vector<16xi32>,
        %parallel_loop3A_155 = arith.constant 240 : i32
        %parallel_loop3A_156 = arith.addi %parallel_loop3A_94, %parallel_loop3A_155 : i32
        %parallel_loop3A_157 = arith.index_cast %parallel_loop3A_156 : i32 to index
        %parallel_loop3A_158 = tpu.vector_load %arg7[%parallel_loop3A_157] {strides = array<i32>} : memref<8192xi32, #tpu.memory_space<vmem>>, vector<16xi32>,
        %parallel_loop3A_159 = tpu.vector_load_idx %arg5[%parallel_loop3A_98] : memref<100000xf32, #tpu.memory_space<vmem>>[vector<16xi32>], vector<16xf32>,
        %parallel_loop3A_160 = tpu.vector_load_idx %arg5[%parallel_loop3A_102] : memref<100000xf32, #tpu.memory_space<vmem>>[vector<16xi32>], vector<16xf32>,
        %parallel_loop3A_161 = tpu.vector_load_idx %arg5[%parallel_loop3A_106] : memref<100000xf32, #tpu.memory_space<vmem>>[vector<16xi32>], vector<16xf32>,
        %parallel_loop3A_162 = tpu.vector_load_idx %arg5[%parallel_loop3A_110] : memref<100000xf32, #tpu.memory_space<vmem>>[vector<16xi32>], vector<16xf32>,
        %parallel_loop3A_163 = tpu.vector_load_idx %arg5[%parallel_loop3A_114] : memref<100000xf32, #tpu.memory_space<vmem>>[vector<16xi32>], vector<16xf32>,
        %parallel_loop3A_164 = tpu.vector_load_idx %arg5[%parallel_loop3A_118] : memref<100000xf32, #tpu.memory_space<vmem>>[vector<16xi32>], vector<16xf32>,
        %parallel_loop3A_165 = tpu.vector_load_idx %arg5[%parallel_loop3A_122] : memref<100000xf32, #tpu.memory_space<vmem>>[vector<16xi32>], vector<16xf32>,
        %parallel_loop3A_166 = tpu.vector_load_idx %arg5[%parallel_loop3A_126] : memref<100000xf32, #tpu.memory_space<vmem>>[vector<16xi32>], vector<16xf32>,
        %parallel_loop3A_167 = tpu.vector_load_idx %arg5[%parallel_loop3A_130] : memref<100000xf32, #tpu.memory_space<vmem>>[vector<16xi32>], vector<16xf32>,
        %parallel_loop3A_168 = tpu.vector_load_idx %arg5[%parallel_loop3A_134] : memref<100000xf32, #tpu.memory_space<vmem>>[vector<16xi32>], vector<16xf32>,
        %parallel_loop3A_169 = tpu.vector_load_idx %arg5[%parallel_loop3A_138] : memref<100000xf32, #tpu.memory_space<vmem>>[vector<16xi32>], vector<16xf32>,
        %parallel_loop3A_170 = tpu.vector_load_idx %arg5[%parallel_loop3A_142] : memref<100000xf32, #tpu.memory_space<vmem>>[vector<16xi32>], vector<16xf32>,
        %parallel_loop3A_171 = tpu.vector_load_idx %arg5[%parallel_loop3A_146] : memref<100000xf32, #tpu.memory_space<vmem>>[vector<16xi32>], vector<16xf32>,
        %parallel_loop3A_172 = tpu.vector_load_idx %arg5[%parallel_loop3A_150] : memref<100000xf32, #tpu.memory_space<vmem>>[vector<16xi32>], vector<16xf32>,
        %parallel_loop3A_173 = tpu.vector_load_idx %arg5[%parallel_loop3A_154] : memref<100000xf32, #tpu.memory_space<vmem>>[vector<16xi32>], vector<16xf32>,
        %parallel_loop3A_174 = tpu.vector_load_idx %arg5[%parallel_loop3A_158] : memref<100000xf32, #tpu.memory_space<vmem>>[vector<16xi32>], vector<16xf32>,
        %parallel_loop3A_175 = arith.constant 0 : i32
        %parallel_loop3A_176 = arith.addi %parallel_loop3A_94, %parallel_loop3A_175 : i32
        %parallel_loop3A_177 = arith.index_cast %parallel_loop3A_176 : i32 to index
        %parallel_loop3A_178 = tpu.vector_load %arg8[%parallel_loop3A_177] {strides = array<i32>} : memref<8192xf32, #tpu.memory_space<vmem>>, vector<16xf32>,
        tpu.vector_store %arg8[%parallel_loop3A_177], %parallel_loop3A_159 {strides = array<i32>} : memref<8192xf32, #tpu.memory_space<vmem>>, vector<16xf32>,
        %parallel_loop3A_179 = arith.constant 16 : i32
        %parallel_loop3A_180 = arith.addi %parallel_loop3A_94, %parallel_loop3A_179 : i32
        %parallel_loop3A_181 = arith.index_cast %parallel_loop3A_180 : i32 to index
        %parallel_loop3A_182 = tpu.vector_load %arg8[%parallel_loop3A_181] {strides = array<i32>} : memref<8192xf32, #tpu.memory_space<vmem>>, vector<16xf32>,
        tpu.vector_store %arg8[%parallel_loop3A_181], %parallel_loop3A_160 {strides = array<i32>} : memref<8192xf32, #tpu.memory_space<vmem>>, vector<16xf32>,
        %parallel_loop3A_183 = arith.constant 32 : i32
        %parallel_loop3A_184 = arith.addi %parallel_loop3A_94, %parallel_loop3A_183 : i32
        %parallel_loop3A_185 = arith.index_cast %parallel_loop3A_184 : i32 to index
        %parallel_loop3A_186 = tpu.vector_load %arg8[%parallel_loop3A_185] {strides = array<i32>} : memref<8192xf32, #tpu.memory_space<vmem>>, vector<16xf32>,
        tpu.vector_store %arg8[%parallel_loop3A_185], %parallel_loop3A_161 {strides = array<i32>} : memref<8192xf32, #tpu.memory_space<vmem>>, vector<16xf32>,
        %parallel_loop3A_187 = arith.constant 48 : i32
        %parallel_loop3A_188 = arith.addi %parallel_loop3A_94, %parallel_loop3A_187 : i32
        %parallel_loop3A_189 = arith.index_cast %parallel_loop3A_188 : i32 to index
        %parallel_loop3A_190 = tpu.vector_load %arg8[%parallel_loop3A_189] {strides = array<i32>} : memref<8192xf32, #tpu.memory_space<vmem>>, vector<16xf32>,
        tpu.vector_store %arg8[%parallel_loop3A_189], %parallel_loop3A_162 {strides = array<i32>} : memref<8192xf32, #tpu.memory_space<vmem>>, vector<16xf32>,
        %parallel_loop3A_191 = arith.constant 64 : i32
        %parallel_loop3A_192 = arith.addi %parallel_loop3A_94, %parallel_loop3A_191 : i32
        %parallel_loop3A_193 = arith.index_cast %parallel_loop3A_192 : i32 to index
        %parallel_loop3A_194 = tpu.vector_load %arg8[%parallel_loop3A_193] {strides = array<i32>} : memref<8192xf32, #tpu.memory_space<vmem>>, vector<16xf32>,
        tpu.vector_store %arg8[%parallel_loop3A_193], %parallel_loop3A_163 {strides = array<i32>} : memref<8192xf32, #tpu.memory_space<vmem>>, vector<16xf32>,
        %parallel_loop3A_195 = arith.constant 80 : i32
        %parallel_loop3A_196 = arith.addi %parallel_loop3A_94, %parallel_loop3A_195 : i32
        %parallel_loop3A_197 = arith.index_cast %parallel_loop3A_196 : i32 to index
        %parallel_loop3A_198 = tpu.vector_load %arg8[%parallel_loop3A_197] {strides = array<i32>} : memref<8192xf32, #tpu.memory_space<vmem>>, vector<16xf32>,
        tpu.vector_store %arg8[%parallel_loop3A_197], %parallel_loop3A_164 {strides = array<i32>} : memref<8192xf32, #tpu.memory_space<vmem>>, vector<16xf32>,
        %parallel_loop3A_199 = arith.constant 96 : i32
        %parallel_loop3A_200 = arith.addi %parallel_loop3A_94, %parallel_loop3A_199 : i32
        %parallel_loop3A_201 = arith.index_cast %parallel_loop3A_200 : i32 to index
        %parallel_loop3A_202 = tpu.vector_load %arg8[%parallel_loop3A_201] {strides = array<i32>} : memref<8192xf32, #tpu.memory_space<vmem>>, vector<16xf32>,
        tpu.vector_store %arg8[%parallel_loop3A_201], %parallel_loop3A_165 {strides = array<i32>} : memref<8192xf32, #tpu.memory_space<vmem>>, vector<16xf32>,
        %parallel_loop3A_203 = arith.constant 112 : i32
        %parallel_loop3A_204 = arith.addi %parallel_loop3A_94, %parallel_loop3A_203 : i32
        %parallel_loop3A_205 = arith.index_cast %parallel_loop3A_204 : i32 to index
        %parallel_loop3A_206 = tpu.vector_load %arg8[%parallel_loop3A_205] {strides = array<i32>} : memref<8192xf32, #tpu.memory_space<vmem>>, vector<16xf32>,
        tpu.vector_store %arg8[%parallel_loop3A_205], %parallel_loop3A_166 {strides = array<i32>} : memref<8192xf32, #tpu.memory_space<vmem>>, vector<16xf32>,
        %parallel_loop3A_207 = arith.constant 128 : i32
        %parallel_loop3A_208 = arith.addi %parallel_loop3A_94, %parallel_loop3A_207 : i32
        %parallel_loop3A_209 = arith.index_cast %parallel_loop3A_208 : i32 to index
        %parallel_loop3A_210 = tpu.vector_load %arg8[%parallel_loop3A_209] {strides = array<i32>} : memref<8192xf32, #tpu.memory_space<vmem>>, vector<16xf32>,
        tpu.vector_store %arg8[%parallel_loop3A_209], %parallel_loop3A_167 {strides = array<i32>} : memref<8192xf32, #tpu.memory_space<vmem>>, vector<16xf32>,
        %parallel_loop3A_211 = arith.constant 144 : i32
        %parallel_loop3A_212 = arith.addi %parallel_loop3A_94, %parallel_loop3A_211 : i32
        %parallel_loop3A_213 = arith.index_cast %parallel_loop3A_212 : i32 to index
        %parallel_loop3A_214 = tpu.vector_load %arg8[%parallel_loop3A_213] {strides = array<i32>} : memref<8192xf32, #tpu.memory_space<vmem>>, vector<16xf32>,
        tpu.vector_store %arg8[%parallel_loop3A_213], %parallel_loop3A_168 {strides = array<i32>} : memref<8192xf32, #tpu.memory_space<vmem>>, vector<16xf32>,
        %parallel_loop3A_215 = arith.constant 160 : i32
        %parallel_loop3A_216 = arith.addi %parallel_loop3A_94, %parallel_loop3A_215 : i32
        %parallel_loop3A_217 = arith.index_cast %parallel_loop3A_216 : i32 to index
        %parallel_loop3A_218 = tpu.vector_load %arg8[%parallel_loop3A_217] {strides = array<i32>} : memref<8192xf32, #tpu.memory_space<vmem>>, vector<16xf32>,
        tpu.vector_store %arg8[%parallel_loop3A_217], %parallel_loop3A_169 {strides = array<i32>} : memref<8192xf32, #tpu.memory_space<vmem>>, vector<16xf32>,
        %parallel_loop3A_219 = arith.constant 176 : i32
        %parallel_loop3A_220 = arith.addi %parallel_loop3A_94, %parallel_loop3A_219 : i32
        %parallel_loop3A_221 = arith.index_cast %parallel_loop3A_220 : i32 to index
        %parallel_loop3A_222 = tpu.vector_load %arg8[%parallel_loop3A_221] {strides = array<i32>} : memref<8192xf32, #tpu.memory_space<vmem>>, vector<16xf32>,
        tpu.vector_store %arg8[%parallel_loop3A_221], %parallel_loop3A_170 {strides = array<i32>} : memref<8192xf32, #tpu.memory_space<vmem>>, vector<16xf32>,
        %parallel_loop3A_223 = arith.constant 192 : i32
        %parallel_loop3A_224 = arith.addi %parallel_loop3A_94, %parallel_loop3A_223 : i32
        %parallel_loop3A_225 = arith.index_cast %parallel_loop3A_224 : i32 to index
        %parallel_loop3A_226 = tpu.vector_load %arg8[%parallel_loop3A_225] {strides = array<i32>} : memref<8192xf32, #tpu.memory_space<vmem>>, vector<16xf32>,
        tpu.vector_store %arg8[%parallel_loop3A_225], %parallel_loop3A_171 {strides = array<i32>} : memref<8192xf32, #tpu.memory_space<vmem>>, vector<16xf32>,
        %parallel_loop3A_227 = arith.constant 208 : i32
        %parallel_loop3A_228 = arith.addi %parallel_loop3A_94, %parallel_loop3A_227 : i32
        %parallel_loop3A_229 = arith.index_cast %parallel_loop3A_228 : i32 to index
        %parallel_loop3A_230 = tpu.vector_load %arg8[%parallel_loop3A_229] {strides = array<i32>} : memref<8192xf32, #tpu.memory_space<vmem>>, vector<16xf32>,
        tpu.vector_store %arg8[%parallel_loop3A_229], %parallel_loop3A_172 {strides = array<i32>} : memref<8192xf32, #tpu.memory_space<vmem>>, vector<16xf32>,
        %parallel_loop3A_231 = arith.constant 224 : i32
        %parallel_loop3A_232 = arith.addi %parallel_loop3A_94, %parallel_loop3A_231 : i32
        %parallel_loop3A_233 = arith.index_cast %parallel_loop3A_232 : i32 to index
        %parallel_loop3A_234 = tpu.vector_load %arg8[%parallel_loop3A_233] {strides = array<i32>} : memref<8192xf32, #tpu.memory_space<vmem>>, vector<16xf32>,
        tpu.vector_store %arg8[%parallel_loop3A_233], %parallel_loop3A_173 {strides = array<i32>} : memref<8192xf32, #tpu.memory_space<vmem>>, vector<16xf32>,
        %parallel_loop3A_235 = arith.constant 240 : i32
        %parallel_loop3A_236 = arith.addi %parallel_loop3A_94, %parallel_loop3A_235 : i32
        %parallel_loop3A_237 = arith.index_cast %parallel_loop3A_236 : i32 to index
        %parallel_loop3A_238 = tpu.vector_load %arg8[%parallel_loop3A_237] {strides = array<i32>} : memref<8192xf32, #tpu.memory_space<vmem>>, vector<16xf32>,
        tpu.vector_store %arg8[%parallel_loop3A_237], %parallel_loop3A_174 {strides = array<i32>} : memref<8192xf32, #tpu.memory_space<vmem>>, vector<16xf32>,
      } {sc.loop_unroll_factor = 1 : i64, sc.parallel_access}
      %dma_start3A_86 = arith.constant 8192 : i32
      %dma_start3A_87 = tpu.memref_slice %arg4[%add3A_15, %dma_start3A_86] : memref<416x16384xf32, #tpu.memory_space<hbm>> -> memref<1x8192xf32, #tpu.memory_space<hbm>>
      %dma_start3A_88 = tpu.memref_squeeze %dma_start3A_87 : memref<1x8192xf32, #tpu.memory_space<hbm>> -> memref<8192xf32, #tpu.memory_space<hbm>>
      %dma_start3A_89 = arith.constant 8192 : i32
      %dma_start3A_90 = tpu.memref_slice %arg4[%add3A_15, %dma_start3A_89] : memref<416x16384xf32, #tpu.memory_space<hbm>> -> memref<1x8192xf32, #tpu.memory_space<hbm>>
      %dma_start3A_91 = tpu.memref_squeeze %dma_start3A_90 : memref<1x8192xf32, #tpu.memory_space<hbm>> -> memref<8192xf32, #tpu.memory_space<hbm>>
      tpu.enqueue_dma source(%arg8 : memref<8192xf32, #tpu.memory_space<vmem>>) target(%dma_start3A_91 : memref<8192xf32, #tpu.memory_space<hbm>>) target_semaphore(%arg10 : memref<!tpu.dma_semaphore, #tpu.memory_space<semaphore_mem>>)
    }
    %scan3A_5 = arith.constant 13 : i32
    %dma_wait3A = arith.constant 0 : i32
    %dma_wait3A_6 = arith.constant 0 : i32
    %dma_wait3A_7 = tpu.memref_slice %arg4[%dma_wait3A, %dma_wait3A_6] : memref<416x16384xf32, #tpu.memory_space<hbm>> -> memref<1x8192xf32, #tpu.memory_space<hbm>>
    %dma_wait3A_8 = tpu.memref_squeeze %dma_wait3A_7 : memref<1x8192xf32, #tpu.memory_space<hbm>> -> memref<8192xf32, #tpu.memory_space<hbm>>
    %dma_wait3A_9 = arith.constant 0 : i32
    %dma_wait3A_10 = tpu.memref_slice %arg4[%dma_wait3A, %dma_wait3A_9] : memref<416x16384xf32, #tpu.memory_space<hbm>> -> memref<1x8192xf32, #tpu.memory_space<hbm>>
    %dma_wait3A_11 = tpu.memref_squeeze %dma_wait3A_10 : memref<1x8192xf32, #tpu.memory_space<hbm>> -> memref<8192xf32, #tpu.memory_space<hbm>>
    tpu.wait_dma2 semaphore(%arg10 : memref<!tpu.dma_semaphore, #tpu.memory_space<semaphore_mem>>) src(%arg8 : memref<8192xf32, #tpu.memory_space<vmem>>) dst(%dma_wait3A_11 : memref<8192xf32, #tpu.memory_space<hbm>>)
    return
  }
}

module attributes {stable_mosaic.version = 14 : i64} {
  func.func @body(%arg0: i32, %arg1: i32, %arg2: memref<416x512xf32, #tpu.memory_space<vmem>>, %arg3: memref<16384x16xbf16, #tpu.memory_space<vmem>>, %arg4: memref<416x1024xf32, #tpu.memory_space<vmem>>, %arg5: memref<16x1024xf32, #tpu.memory_space<vmem>>, %arg6: memref<1x1024xf32, #tpu.memory_space<vmem>>, %arg7: memref<1x16xf32, #tpu.memory_space<vmem>>, %arg8: memref<1x16xf32, #tpu.memory_space<vmem>>, %arg9: memref<1024x512xbf16, #tpu.memory_space<vmem>>, %arg10: memref<1x512xf32, #tpu.memory_space<vmem>>, %arg11: memref<1x1024xf32, #tpu.memory_space<vmem>>, %arg12: memref<1x1024xf32, #tpu.memory_space<vmem>>, %arg13: memref<512x128xbf16, #tpu.memory_space<vmem>>, %arg14: memref<1x128xf32, #tpu.memory_space<vmem>>, %arg15: memref<1x512xf32, #tpu.memory_space<vmem>>, %arg16: memref<1x512xf32, #tpu.memory_space<vmem>>, %arg17: memref<512x128xf32, #tpu.memory_space<vmem>>, %arg18: memref<16384x1024xbf16, #tpu.memory_space<vmem>>, %arg19: memref<16384x512xbf16, #tpu.memory_space<vmem>>, %arg20: memref<8x1024xf32, #tpu.memory_space<vmem>>, %arg21: memref<8x512xf32, #tpu.memory_space<vmem>>, %arg22: memref<8x16xf32, #tpu.memory_space<vmem>>, %arg23: memref<1024x512xbf16, #tpu.memory_space<vmem>>, %arg24: memref<8x512xf32, #tpu.memory_space<vmem>>, %arg25: memref<512x128xbf16, #tpu.memory_space<vmem>>, %arg26: memref<8x128xf32, #tpu.memory_space<vmem>>) attributes {dimension_semantics = [#tpu.dimension_semantics<arbitrary>, #tpu.dimension_semantics<arbitrary>], iteration_bounds = array<i64: 3, 32>, scalar_prefetch = 0 : i64, scratch_operands = 9 : i64, tpu.core_type = #tpu.core_type<tc>, window_params = [{transform_indices = @transform_0, window_bounds = array<i64: 416, 512>}, {pipeline_mode = #tpu.pipeline_mode<synchronous>, transform_indices = @transform_1, window_bounds = array<i64: 16384, 16>}, {pipeline_mode = #tpu.pipeline_mode<synchronous>, transform_indices = @transform_2, window_bounds = array<i64: 416, 1024>}, {pipeline_mode = #tpu.pipeline_mode<synchronous>, transform_indices = @transform_3, window_bounds = array<i64: 16, 1024>}, {pipeline_mode = #tpu.pipeline_mode<synchronous>, transform_indices = @transform_4, window_bounds = array<i64: 1, 1024>}, {pipeline_mode = #tpu.pipeline_mode<synchronous>, transform_indices = @transform_5, window_bounds = array<i64: 1, 16>}, {pipeline_mode = #tpu.pipeline_mode<synchronous>, transform_indices = @transform_6, window_bounds = array<i64: 1, 16>}, {pipeline_mode = #tpu.pipeline_mode<synchronous>, transform_indices = @transform_7, window_bounds = array<i64: 1024, 512>}, {pipeline_mode = #tpu.pipeline_mode<synchronous>, transform_indices = @transform_8, window_bounds = array<i64: 1, 512>}, {pipeline_mode = #tpu.pipeline_mode<synchronous>, transform_indices = @transform_9, window_bounds = array<i64: 1, 1024>}, {pipeline_mode = #tpu.pipeline_mode<synchronous>, transform_indices = @transform_10, window_bounds = array<i64: 1, 1024>}, {pipeline_mode = #tpu.pipeline_mode<synchronous>, transform_indices = @transform_11, window_bounds = array<i64: 512, 128>}, {pipeline_mode = #tpu.pipeline_mode<synchronous>, transform_indices = @transform_12, window_bounds = array<i64: 1, 128>}, {pipeline_mode = #tpu.pipeline_mode<synchronous>, transform_indices = @transform_13, window_bounds = array<i64: 1, 512>}, {pipeline_mode = #tpu.pipeline_mode<synchronous>, transform_indices = @transform_14, window_bounds = array<i64: 1, 512>}, {transform_indices = @transform_15, window_bounds = array<i64: 512, 128>}]} {
    %eq3A = arith.constant 0 : i32
    %eq3A_0 = arith.cmpi eq, %arg0, %eq3A : i32
    %eq3A_1 = arith.constant 0 : i32
    %eq3A_2 = arith.cmpi eq, %arg1, %eq3A_1 : i32
    %and3A = arith.andi %eq3A_0, %eq3A_2 : i1
    %convert_element_type3A = arith.extui %and3A : i1 to i32
    %cond3A = arith.constant 0 : i32
    %cond3A_3 = arith.cmpi ne, %convert_element_type3A, %cond3A : i32
    scf.if %cond3A_3 {
      %get3A = arith.constant 0 : index
      %get3A_36 = arith.constant 0 : index
      %get3A_37 = vector.load %arg3[%get3A, %get3A_36] : memref<16384x16xbf16, #tpu.memory_space<vmem>>, vector<16384x16xbf16>
      %convert_element_type3A_38 = arith.extf %get3A_37 : vector<16384x16xbf16> to vector<16384x16xf32>
      %reduce_sum3A = arith.constant dense<0.000000e+00> : vector<16xf32>
      %reduce_sum3A_39 = vector.multi_reduction <add>, %convert_element_type3A_38, %reduce_sum3A [0] : vector<16384x16xf32> to vector<16xf32>
      %broadcast_in_dim3A_40 = vector.shape_cast %reduce_sum3A_39 : vector<16xf32> to vector<1x16xf32>
      %div3A = arith.constant 1.638400e+04 : f32
      %div3A_41 = vector.broadcast %div3A : f32 to vector<1x16xf32>
      %div3A_42 = arith.divf %broadcast_in_dim3A_40, %div3A_41 : vector<1x16xf32>
      %mul3A = arith.mulf %convert_element_type3A_38, %convert_element_type3A_38 : vector<16384x16xf32>
      %reduce_sum3A_43 = arith.constant dense<0.000000e+00> : vector<16xf32>
      %reduce_sum3A_44 = vector.multi_reduction <add>, %mul3A, %reduce_sum3A_43 [0] : vector<16384x16xf32> to vector<16xf32>
      %broadcast_in_dim3A_45 = vector.shape_cast %reduce_sum3A_44 : vector<16xf32> to vector<1x16xf32>
      %div3A_46 = arith.constant 1.638400e+04 : f32
      %div3A_47 = vector.broadcast %div3A_46 : f32 to vector<1x16xf32>
      %div3A_48 = arith.divf %broadcast_in_dim3A_45, %div3A_47 : vector<1x16xf32>
      %mul3A_49 = arith.mulf %div3A_42, %div3A_42 : vector<1x16xf32>
      %sub3A = arith.subf %div3A_48, %mul3A_49 : vector<1x16xf32>
      %get3A_50 = arith.constant 0 : index
      %get3A_51 = arith.constant 0 : index
      %get3A_52 = vector.load %arg7[%get3A_50, %get3A_51] : memref<1x16xf32, #tpu.memory_space<vmem>>, vector<1x16xf32>
      %add3A = arith.constant 9.99999974E-6 : f32
      %add3A_53 = vector.broadcast %add3A : f32 to vector<1x16xf32>
      %add3A_54 = arith.addf %sub3A, %add3A_53 : vector<1x16xf32>
      %sqrt3A = math.sqrt %add3A_54 : vector<1x16xf32>
      %div3A_55 = arith.divf %get3A_52, %sqrt3A : vector<1x16xf32>
      %swap3A = arith.constant 0 : index
      %swap3A_56 = arith.constant 0 : index
      %swap3A_57 = vector.load %arg22[%swap3A, %swap3A_56] : memref<8x16xf32, #tpu.memory_space<vmem>>, vector<1x16xf32>
      tpu.vector_store %arg22[%swap3A, %swap3A_56], %div3A_55 {strides = array<i32>} : memref<8x16xf32, #tpu.memory_space<vmem>>, vector<1x16xf32>,
      %get3A_58 = arith.constant 0 : index
      %get3A_59 = arith.constant 0 : index
      %get3A_60 = vector.load %arg8[%get3A_58, %get3A_59] : memref<1x16xf32, #tpu.memory_space<vmem>>, vector<1x16xf32>
      %mul3A_61 = arith.mulf %div3A_42, %div3A_55 : vector<1x16xf32>
      %sub3A_62 = arith.subf %get3A_60, %mul3A_61 : vector<1x16xf32>
      %swap3A_63 = arith.constant 1 : index
      %swap3A_64 = arith.constant 0 : index
      %swap3A_65 = vector.load %arg22[%swap3A_63, %swap3A_64] : memref<8x16xf32, #tpu.memory_space<vmem>>, vector<1x16xf32>
      tpu.vector_store %arg22[%swap3A_63, %swap3A_64], %sub3A_62 {strides = array<i32>} : memref<8x16xf32, #tpu.memory_space<vmem>>, vector<1x16xf32>,
      %broadcast_in_dim3A_66 = arith.constant 0.000000e+00 : f32
      %broadcast_in_dim3A_67 = vector.broadcast %broadcast_in_dim3A_66 : f32 to vector<8x1024xf32>
      %swap3A_68 = arith.constant 0 : index
      %swap3A_69 = arith.constant 0 : index
      %swap3A_70 = vector.load %arg20[%swap3A_68, %swap3A_69] : memref<8x1024xf32, #tpu.memory_space<vmem>>, vector<8x1024xf32>
      tpu.vector_store %arg20[%swap3A_68, %swap3A_69], %broadcast_in_dim3A_67 {strides = array<i32>} : memref<8x1024xf32, #tpu.memory_space<vmem>>, vector<8x1024xf32>,
      %broadcast_in_dim3A_71 = arith.constant 0.000000e+00 : f32
      %broadcast_in_dim3A_72 = vector.broadcast %broadcast_in_dim3A_71 : f32 to vector<8x512xf32>
      %swap3A_73 = arith.constant 0 : index
      %swap3A_74 = arith.constant 0 : index
      %swap3A_75 = vector.load %arg21[%swap3A_73, %swap3A_74] : memref<8x512xf32, #tpu.memory_space<vmem>>, vector<8x512xf32>
      tpu.vector_store %arg21[%swap3A_73, %swap3A_74], %broadcast_in_dim3A_72 {strides = array<i32>} : memref<8x512xf32, #tpu.memory_space<vmem>>, vector<8x512xf32>,
    } else {
    }
    %broadcast_in_dim3A = arith.constant 1.000000e+00 : f32
    %broadcast_in_dim3A_4 = vector.broadcast %broadcast_in_dim3A : f32 to vector<1x512xf32>
    %eq3A_5 = arith.constant 0 : i32
    %eq3A_6 = arith.cmpi eq, %arg0, %eq3A_5 : i32
    %convert_element_type3A_7 = arith.extui %eq3A_6 : i1 to i32
    %cond3A_8 = arith.constant 0 : i32
    %cond3A_9 = arith.cmpi ne, %convert_element_type3A_7, %cond3A_8 : i32
    scf.if %cond3A_9 {
      %mul3A = arith.constant 512 : i32
      %mul3A_36 = arith.muli %arg1, %mul3A : i32
      %get3A = arith.index_cast %mul3A_36 : i32 to index
      %get3A_37 = arith.constant 0 : index
      %get3A_38 = vector.load %arg3[%get3A, %get3A_37] : memref<16384x16xbf16, #tpu.memory_space<vmem>>, vector<512x16xbf16>
      %convert_element_type3A_39 = arith.extf %get3A_38 : vector<512x16xbf16> to vector<512x16xf32>
      %get3A_40 = arith.constant 0 : index
      %get3A_41 = arith.constant 0 : index
      %get3A_42 = vector.load %arg22[%get3A_40, %get3A_41] : memref<8x16xf32, #tpu.memory_space<vmem>>, vector<1x16xf32>
      %mul3A_43 = vector.broadcast %get3A_42 : vector<1x16xf32> to vector<512x16xf32>
      %mul3A_44 = arith.mulf %convert_element_type3A_39, %mul3A_43 : vector<512x16xf32>
      %get3A_45 = arith.constant 1 : index
      %get3A_46 = arith.constant 0 : index
      %get3A_47 = vector.load %arg22[%get3A_45, %get3A_46] : memref<8x16xf32, #tpu.memory_space<vmem>>, vector<1x16xf32>
      %add3A = vector.broadcast %get3A_47 : vector<1x16xf32> to vector<512x16xf32>
      %add3A_48 = arith.addf %mul3A_44, %add3A : vector<512x16xf32>
      %get3A_49 = arith.constant 0 : index
      %get3A_50 = arith.constant 0 : index
      %get3A_51 = vector.load %arg2[%get3A_49, %get3A_50] : memref<416x512xf32, #tpu.memory_space<vmem>>, vector<416x512xf32>
      %get3A_52 = arith.constant 0 : index
      %get3A_53 = arith.constant 0 : index
      %get3A_54 = vector.load %arg4[%get3A_52, %get3A_53] : memref<416x1024xf32, #tpu.memory_space<vmem>>, vector<416x1024xf32>
      %dot_general3A = arith.constant dense<0.000000e+00> : vector<512x1024xf32>
      %dot_general3A_55 = tpu.matmul %get3A_51, %get3A_54, %dot_general3A {dimension_numbers = #tpu.dot_dimension_numbers<[0], [0], [1], [1], [0, 1, 1, 1], [], []>, transpose_lhs_hint = false} : vector<416x512xf32>, vector<416x1024xf32>, vector<512x1024xf32> -> vector<512x1024xf32>
      %get3A_56 = arith.constant 0 : index
      %get3A_57 = arith.constant 0 : index
      %get3A_58 = vector.load %arg5[%get3A_56, %get3A_57] : memref<16x1024xf32, #tpu.memory_space<vmem>>, vector<16x1024xf32>
      %dot_general3A_59 = arith.constant dense<0.000000e+00> : vector<512x1024xf32>
      %dot_general3A_60 = tpu.matmul %add3A_48, %get3A_58, %dot_general3A_59 {dimension_numbers = #tpu.dot_dimension_numbers<[1], [0], [0], [1], [0, 0, 1, 1], [], []>, transpose_lhs_hint = false} : vector<512x16xf32>, vector<16x1024xf32>, vector<512x1024xf32> -> vector<512x1024xf32>
      %add3A_61 = arith.addf %dot_general3A_55, %dot_general3A_60 : vector<512x1024xf32>
      %get3A_62 = arith.constant 0 : index
      %get3A_63 = arith.constant 0 : index
      %get3A_64 = vector.load %arg6[%get3A_62, %get3A_63] : memref<1x1024xf32, #tpu.memory_space<vmem>>, vector<1x1024xf32>
      %add3A_65 = vector.broadcast %get3A_64 : vector<1x1024xf32> to vector<512x1024xf32>
      %add3A_66 = arith.addf %add3A_61, %add3A_65 : vector<512x1024xf32>
      %max3A = arith.constant 0.000000e+00 : f32
      %max3A_67 = vector.broadcast %max3A : f32 to vector<512x1024xf32>
      %max3A_68 = arith.maximumf %add3A_66, %max3A_67 : vector<512x1024xf32>
      %convert_element_type3A_69 = arith.truncf %max3A_68 : vector<512x1024xf32> to vector<512x1024xbf16>
      %mul3A_70 = arith.constant 512 : i32
      %mul3A_71 = arith.muli %arg1, %mul3A_70 : i32
      %swap3A = arith.index_cast %mul3A_71 : i32 to index
      %swap3A_72 = arith.constant 0 : index
      %swap3A_73 = vector.load %arg18[%swap3A, %swap3A_72] : memref<16384x1024xbf16, #tpu.memory_space<vmem>>, vector<512x1024xbf16>
      tpu.vector_store %arg18[%swap3A, %swap3A_72], %convert_element_type3A_69 {strides = array<i32>} : memref<16384x1024xbf16, #tpu.memory_space<vmem>>, vector<512x1024xbf16>,
      %get3A_74 = arith.constant 0 : index
      %get3A_75 = arith.constant 0 : index
      %get3A_76 = vector.load %arg20[%get3A_74, %get3A_75] : memref<8x1024xf32, #tpu.memory_space<vmem>>, vector<1x1024xf32>
      %dot_general3A_77 = arith.constant dense<0.000000e+00> : vector<1x1024xf32>
      %dot_general3A_78 = tpu.matmul %broadcast_in_dim3A_4, %max3A_68, %dot_general3A_77 {dimension_numbers = #tpu.dot_dimension_numbers<[1], [0], [0], [1], [0, 0, 1, 1], [], []>, transpose_lhs_hint = false} : vector<1x512xf32>, vector<512x1024xf32>, vector<1x1024xf32> -> vector<1x1024xf32>
      %add3A_79 = arith.addf %get3A_76, %dot_general3A_78 : vector<1x1024xf32>
      %swap3A_80 = arith.constant 0 : index
      %swap3A_81 = arith.constant 0 : index
      %swap3A_82 = vector.load %arg20[%swap3A_80, %swap3A_81] : memref<8x1024xf32, #tpu.memory_space<vmem>>, vector<1x1024xf32>
      tpu.vector_store %arg20[%swap3A_80, %swap3A_81], %add3A_79 {strides = array<i32>} : memref<8x1024xf32, #tpu.memory_space<vmem>>, vector<1x1024xf32>,
      %get3A_83 = arith.constant 1 : index
      %get3A_84 = arith.constant 0 : index
      %get3A_85 = vector.load %arg20[%get3A_83, %get3A_84] : memref<8x1024xf32, #tpu.memory_space<vmem>>, vector<1x1024xf32>
      %mul3A_86 = arith.mulf %max3A_68, %max3A_68 : vector<512x1024xf32>
      %dot_general3A_87 = arith.constant dense<0.000000e+00> : vector<1x1024xf32>
      %dot_general3A_88 = tpu.matmul %broadcast_in_dim3A_4, %mul3A_86, %dot_general3A_87 {dimension_numbers = #tpu.dot_dimension_numbers<[1], [0], [0], [1], [0, 0, 1, 1], [], []>, transpose_lhs_hint = false} : vector<1x512xf32>, vector<512x1024xf32>, vector<1x1024xf32> -> vector<1x1024xf32>
      %add3A_89 = arith.addf %get3A_85, %dot_general3A_88 : vector<1x1024xf32>
      %swap3A_90 = arith.constant 1 : index
      %swap3A_91 = arith.constant 0 : index
      %swap3A_92 = vector.load %arg20[%swap3A_90, %swap3A_91] : memref<8x1024xf32, #tpu.memory_space<vmem>>, vector<1x1024xf32>
      tpu.vector_store %arg20[%swap3A_90, %swap3A_91], %add3A_89 {strides = array<i32>} : memref<8x1024xf32, #tpu.memory_space<vmem>>, vector<1x1024xf32>,
    } else {
    }
    %eq3A_10 = arith.constant 1 : i32
    %eq3A_11 = arith.cmpi eq, %arg0, %eq3A_10 : i32
    %eq3A_12 = arith.constant 0 : i32
    %eq3A_13 = arith.cmpi eq, %arg1, %eq3A_12 : i32
    %and3A_14 = arith.andi %eq3A_11, %eq3A_13 : i1
    %convert_element_type3A_15 = arith.extui %and3A_14 : i1 to i32
    %cond3A_16 = arith.constant 0 : i32
    %cond3A_17 = arith.cmpi ne, %convert_element_type3A_15, %cond3A_16 : i32
    scf.if %cond3A_17 {
      %get3A = arith.constant 0 : index
      %get3A_36 = arith.constant 0 : index
      %get3A_37 = vector.load %arg20[%get3A, %get3A_36] : memref<8x1024xf32, #tpu.memory_space<vmem>>, vector<1x1024xf32>
      %mul3A = arith.constant 6.10351563E-5 : f32
      %mul3A_38 = vector.broadcast %mul3A : f32 to vector<1x1024xf32>
      %mul3A_39 = arith.mulf %get3A_37, %mul3A_38 : vector<1x1024xf32>
      %get3A_40 = arith.constant 1 : index
      %get3A_41 = arith.constant 0 : index
      %get3A_42 = vector.load %arg20[%get3A_40, %get3A_41] : memref<8x1024xf32, #tpu.memory_space<vmem>>, vector<1x1024xf32>
      %mul3A_43 = arith.constant 6.10351563E-5 : f32
      %mul3A_44 = vector.broadcast %mul3A_43 : f32 to vector<1x1024xf32>
      %mul3A_45 = arith.mulf %get3A_42, %mul3A_44 : vector<1x1024xf32>
      %mul3A_46 = arith.mulf %mul3A_39, %mul3A_39 : vector<1x1024xf32>
      %sub3A = arith.subf %mul3A_45, %mul3A_46 : vector<1x1024xf32>
      %get3A_47 = arith.constant 0 : index
      %get3A_48 = arith.constant 0 : index
      %get3A_49 = vector.load %arg11[%get3A_47, %get3A_48] : memref<1x1024xf32, #tpu.memory_space<vmem>>, vector<1x1024xf32>
      %add3A = arith.constant 9.99999974E-6 : f32
      %add3A_50 = vector.broadcast %add3A : f32 to vector<1x1024xf32>
      %add3A_51 = arith.addf %sub3A, %add3A_50 : vector<1x1024xf32>
      %sqrt3A = math.sqrt %add3A_51 : vector<1x1024xf32>
      %div3A = arith.divf %get3A_49, %sqrt3A : vector<1x1024xf32>
      %get3A_52 = arith.constant 0 : index
      %get3A_53 = arith.constant 0 : index
      %get3A_54 = vector.load %arg12[%get3A_52, %get3A_53] : memref<1x1024xf32, #tpu.memory_space<vmem>>, vector<1x1024xf32>
      %mul3A_55 = arith.mulf %mul3A_39, %div3A : vector<1x1024xf32>
      %sub3A_56 = arith.subf %get3A_54, %mul3A_55 : vector<1x1024xf32>
      %concatenate3A = tpu.concatenate %div3A, %sub3A_56 in 0 : vector<1x1024xf32>, vector<1x1024xf32> -> vector<2x1024xf32>
      %transpose3A = tpu.transpose %concatenate3A, [1, 0] : vector<2x1024xf32> -> vector<1024x2xf32>
      %get3A_57 = arith.constant 0 : index
      %get3A_58 = arith.constant 0 : index
      %get3A_59 = vector.load %arg9[%get3A_57, %get3A_58] : memref<1024x512xbf16, #tpu.memory_space<vmem>>, vector<1024x512xbf16>
      %convert_element_type3A_60 = arith.extf %get3A_59 : vector<1024x512xbf16> to vector<1024x512xf32>
      %slice3A = vector.extract_strided_slice %transpose3A {offsets = [0, 0], sizes = [1024, 1], strides = [1, 1]} : vector<1024x2xf32> to vector<1024x1xf32>
      %mul3A_61 = vector.broadcast %slice3A : vector<1024x1xf32> to vector<1024x512xf32>
      %mul3A_62 = arith.mulf %convert_element_type3A_60, %mul3A_61 : vector<1024x512xf32>
      %convert_element_type3A_63 = arith.truncf %mul3A_62 : vector<1024x512xf32> to vector<1024x512xbf16>
      %swap3A = arith.constant 0 : index
      %swap3A_64 = arith.constant 0 : index
      %swap3A_65 = vector.load %arg23[%swap3A, %swap3A_64] : memref<1024x512xbf16, #tpu.memory_space<vmem>>, vector<1024x512xbf16>
      tpu.vector_store %arg23[%swap3A, %swap3A_64], %convert_element_type3A_63 {strides = array<i32>} : memref<1024x512xbf16, #tpu.memory_space<vmem>>, vector<1024x512xbf16>,
      %get3A_66 = arith.constant 0 : index
      %get3A_67 = arith.constant 0 : index
      %get3A_68 = vector.load %arg10[%get3A_66, %get3A_67] : memref<1x512xf32, #tpu.memory_space<vmem>>, vector<1x512xf32>
      %slice3A_69 = vector.extract_strided_slice %transpose3A {offsets = [0, 1], sizes = [1024, 1], strides = [1, 1]} : vector<1024x2xf32> to vector<1024x1xf32>
      %dot_general3A = arith.constant dense<0.000000e+00> : vector<1x512xf32>
      %dot_general3A_70 = tpu.matmul %slice3A_69, %convert_element_type3A_60, %dot_general3A {dimension_numbers = #tpu.dot_dimension_numbers<[0], [0], [1], [1], [0, 1, 1, 1], [], []>, transpose_lhs_hint = false} : vector<1024x1xf32>, vector<1024x512xf32>, vector<1x512xf32> -> vector<1x512xf32>
      %add3A_71 = arith.addf %get3A_68, %dot_general3A_70 : vector<1x512xf32>
      %swap3A_72 = arith.constant 0 : index
      %swap3A_73 = arith.constant 0 : index
      %swap3A_74 = vector.load %arg24[%swap3A_72, %swap3A_73] : memref<8x512xf32, #tpu.memory_space<vmem>>, vector<1x512xf32>
      tpu.vector_store %arg24[%swap3A_72, %swap3A_73], %add3A_71 {strides = array<i32>} : memref<8x512xf32, #tpu.memory_space<vmem>>, vector<1x512xf32>,
    } else {
    }
    %eq3A_18 = arith.constant 1 : i32
    %eq3A_19 = arith.cmpi eq, %arg0, %eq3A_18 : i32
    %convert_element_type3A_20 = arith.extui %eq3A_19 : i1 to i32
    %cond3A_21 = arith.constant 0 : i32
    %cond3A_22 = arith.cmpi ne, %convert_element_type3A_20, %cond3A_21 : i32
    scf.if %cond3A_22 {
      %mul3A = arith.constant 512 : i32
      %mul3A_36 = arith.muli %arg1, %mul3A : i32
      %get3A = arith.index_cast %mul3A_36 : i32 to index
      %get3A_37 = arith.constant 0 : index
      %get3A_38 = vector.load %arg18[%get3A, %get3A_37] : memref<16384x1024xbf16, #tpu.memory_space<vmem>>, vector<512x1024xbf16>
      %get3A_39 = arith.constant 0 : index
      %get3A_40 = arith.constant 0 : index
      %get3A_41 = vector.load %arg23[%get3A_39, %get3A_40] : memref<1024x512xbf16, #tpu.memory_space<vmem>>, vector<1024x512xbf16>
      %dot_general3A = arith.constant dense<0.000000e+00> : vector<512x512xf32>
      %dot_general3A_42 = tpu.matmul %get3A_38, %get3A_41, %dot_general3A {dimension_numbers = #tpu.dot_dimension_numbers<[1], [0], [0], [1], [0, 0, 1, 1], [], []>, transpose_lhs_hint = false} : vector<512x1024xbf16>, vector<1024x512xbf16>, vector<512x512xf32> -> vector<512x512xf32>
      %get3A_43 = arith.constant 0 : index
      %get3A_44 = arith.constant 0 : index
      %get3A_45 = vector.load %arg24[%get3A_43, %get3A_44] : memref<8x512xf32, #tpu.memory_space<vmem>>, vector<1x512xf32>
      %add3A = vector.broadcast %get3A_45 : vector<1x512xf32> to vector<512x512xf32>
      %add3A_46 = arith.addf %dot_general3A_42, %add3A : vector<512x512xf32>
      %max3A = arith.constant 0.000000e+00 : f32
      %max3A_47 = vector.broadcast %max3A : f32 to vector<512x512xf32>
      %max3A_48 = arith.maximumf %add3A_46, %max3A_47 : vector<512x512xf32>
      %convert_element_type3A_49 = arith.truncf %max3A_48 : vector<512x512xf32> to vector<512x512xbf16>
      %mul3A_50 = arith.constant 512 : i32
      %mul3A_51 = arith.muli %arg1, %mul3A_50 : i32
      %swap3A = arith.index_cast %mul3A_51 : i32 to index
      %swap3A_52 = arith.constant 0 : index
      %swap3A_53 = vector.load %arg19[%swap3A, %swap3A_52] : memref<16384x512xbf16, #tpu.memory_space<vmem>>, vector<512x512xbf16>
      tpu.vector_store %arg19[%swap3A, %swap3A_52], %convert_element_type3A_49 {strides = array<i32>} : memref<16384x512xbf16, #tpu.memory_space<vmem>>, vector<512x512xbf16>,
      %get3A_54 = arith.constant 0 : index
      %get3A_55 = arith.constant 0 : index
      %get3A_56 = vector.load %arg21[%get3A_54, %get3A_55] : memref<8x512xf32, #tpu.memory_space<vmem>>, vector<1x512xf32>
      %dot_general3A_57 = arith.constant dense<0.000000e+00> : vector<1x512xf32>
      %dot_general3A_58 = tpu.matmul %broadcast_in_dim3A_4, %max3A_48, %dot_general3A_57 {dimension_numbers = #tpu.dot_dimension_numbers<[1], [0], [0], [1], [0, 0, 1, 1], [], []>, transpose_lhs_hint = false} : vector<1x512xf32>, vector<512x512xf32>, vector<1x512xf32> -> vector<1x512xf32>
      %add3A_59 = arith.addf %get3A_56, %dot_general3A_58 : vector<1x512xf32>
      %swap3A_60 = arith.constant 0 : index
      %swap3A_61 = arith.constant 0 : index
      %swap3A_62 = vector.load %arg21[%swap3A_60, %swap3A_61] : memref<8x512xf32, #tpu.memory_space<vmem>>, vector<1x512xf32>
      tpu.vector_store %arg21[%swap3A_60, %swap3A_61], %add3A_59 {strides = array<i32>} : memref<8x512xf32, #tpu.memory_space<vmem>>, vector<1x512xf32>,
      %get3A_63 = arith.constant 1 : index
      %get3A_64 = arith.constant 0 : index
      %get3A_65 = vector.load %arg21[%get3A_63, %get3A_64] : memref<8x512xf32, #tpu.memory_space<vmem>>, vector<1x512xf32>
      %mul3A_66 = arith.mulf %max3A_48, %max3A_48 : vector<512x512xf32>
      %dot_general3A_67 = arith.constant dense<0.000000e+00> : vector<1x512xf32>
      %dot_general3A_68 = tpu.matmul %broadcast_in_dim3A_4, %mul3A_66, %dot_general3A_67 {dimension_numbers = #tpu.dot_dimension_numbers<[1], [0], [0], [1], [0, 0, 1, 1], [], []>, transpose_lhs_hint = false} : vector<1x512xf32>, vector<512x512xf32>, vector<1x512xf32> -> vector<1x512xf32>
      %add3A_69 = arith.addf %get3A_65, %dot_general3A_68 : vector<1x512xf32>
      %swap3A_70 = arith.constant 1 : index
      %swap3A_71 = arith.constant 0 : index
      %swap3A_72 = vector.load %arg21[%swap3A_70, %swap3A_71] : memref<8x512xf32, #tpu.memory_space<vmem>>, vector<1x512xf32>
      tpu.vector_store %arg21[%swap3A_70, %swap3A_71], %add3A_69 {strides = array<i32>} : memref<8x512xf32, #tpu.memory_space<vmem>>, vector<1x512xf32>,
    } else {
    }
    %eq3A_23 = arith.constant 2 : i32
    %eq3A_24 = arith.cmpi eq, %arg0, %eq3A_23 : i32
    %eq3A_25 = arith.constant 0 : i32
    %eq3A_26 = arith.cmpi eq, %arg1, %eq3A_25 : i32
    %and3A_27 = arith.andi %eq3A_24, %eq3A_26 : i1
    %convert_element_type3A_28 = arith.extui %and3A_27 : i1 to i32
    %cond3A_29 = arith.constant 0 : i32
    %cond3A_30 = arith.cmpi ne, %convert_element_type3A_28, %cond3A_29 : i32
    scf.if %cond3A_30 {
      %get3A = arith.constant 0 : index
      %get3A_36 = arith.constant 0 : index
      %get3A_37 = vector.load %arg21[%get3A, %get3A_36] : memref<8x512xf32, #tpu.memory_space<vmem>>, vector<1x512xf32>
      %mul3A = arith.constant 6.10351563E-5 : f32
      %mul3A_38 = vector.broadcast %mul3A : f32 to vector<1x512xf32>
      %mul3A_39 = arith.mulf %get3A_37, %mul3A_38 : vector<1x512xf32>
      %get3A_40 = arith.constant 1 : index
      %get3A_41 = arith.constant 0 : index
      %get3A_42 = vector.load %arg21[%get3A_40, %get3A_41] : memref<8x512xf32, #tpu.memory_space<vmem>>, vector<1x512xf32>
      %mul3A_43 = arith.constant 6.10351563E-5 : f32
      %mul3A_44 = vector.broadcast %mul3A_43 : f32 to vector<1x512xf32>
      %mul3A_45 = arith.mulf %get3A_42, %mul3A_44 : vector<1x512xf32>
      %mul3A_46 = arith.mulf %mul3A_39, %mul3A_39 : vector<1x512xf32>
      %sub3A = arith.subf %mul3A_45, %mul3A_46 : vector<1x512xf32>
      %get3A_47 = arith.constant 0 : index
      %get3A_48 = arith.constant 0 : index
      %get3A_49 = vector.load %arg15[%get3A_47, %get3A_48] : memref<1x512xf32, #tpu.memory_space<vmem>>, vector<1x512xf32>
      %add3A = arith.constant 9.99999974E-6 : f32
      %add3A_50 = vector.broadcast %add3A : f32 to vector<1x512xf32>
      %add3A_51 = arith.addf %sub3A, %add3A_50 : vector<1x512xf32>
      %sqrt3A = math.sqrt %add3A_51 : vector<1x512xf32>
      %div3A = arith.divf %get3A_49, %sqrt3A : vector<1x512xf32>
      %get3A_52 = arith.constant 0 : index
      %get3A_53 = arith.constant 0 : index
      %get3A_54 = vector.load %arg16[%get3A_52, %get3A_53] : memref<1x512xf32, #tpu.memory_space<vmem>>, vector<1x512xf32>
      %mul3A_55 = arith.mulf %mul3A_39, %div3A : vector<1x512xf32>
      %sub3A_56 = arith.subf %get3A_54, %mul3A_55 : vector<1x512xf32>
      %concatenate3A = tpu.concatenate %div3A, %sub3A_56 in 0 : vector<1x512xf32>, vector<1x512xf32> -> vector<2x512xf32>
      %transpose3A = tpu.transpose %concatenate3A, [1, 0] : vector<2x512xf32> -> vector<512x2xf32>
      %get3A_57 = arith.constant 0 : index
      %get3A_58 = arith.constant 0 : index
      %get3A_59 = vector.load %arg13[%get3A_57, %get3A_58] : memref<512x128xbf16, #tpu.memory_space<vmem>>, vector<512x128xbf16>
      %convert_element_type3A_60 = arith.extf %get3A_59 : vector<512x128xbf16> to vector<512x128xf32>
      %slice3A = vector.extract_strided_slice %transpose3A {offsets = [0, 0], sizes = [512, 1], strides = [1, 1]} : vector<512x2xf32> to vector<512x1xf32>
      %mul3A_61 = vector.broadcast %slice3A : vector<512x1xf32> to vector<512x128xf32>
      %mul3A_62 = arith.mulf %convert_element_type3A_60, %mul3A_61 : vector<512x128xf32>
      %convert_element_type3A_63 = arith.truncf %mul3A_62 : vector<512x128xf32> to vector<512x128xbf16>
      %swap3A = arith.constant 0 : index
      %swap3A_64 = arith.constant 0 : index
      %swap3A_65 = vector.load %arg25[%swap3A, %swap3A_64] : memref<512x128xbf16, #tpu.memory_space<vmem>>, vector<512x128xbf16>
      tpu.vector_store %arg25[%swap3A, %swap3A_64], %convert_element_type3A_63 {strides = array<i32>} : memref<512x128xbf16, #tpu.memory_space<vmem>>, vector<512x128xbf16>,
      %get3A_66 = arith.constant 0 : index
      %get3A_67 = arith.constant 0 : index
      %get3A_68 = vector.load %arg14[%get3A_66, %get3A_67] : memref<1x128xf32, #tpu.memory_space<vmem>>, vector<1x128xf32>
      %slice3A_69 = vector.extract_strided_slice %transpose3A {offsets = [0, 1], sizes = [512, 1], strides = [1, 1]} : vector<512x2xf32> to vector<512x1xf32>
      %dot_general3A = arith.constant dense<0.000000e+00> : vector<1x128xf32>
      %dot_general3A_70 = tpu.matmul %slice3A_69, %convert_element_type3A_60, %dot_general3A {dimension_numbers = #tpu.dot_dimension_numbers<[0], [0], [1], [1], [0, 1, 1, 1], [], []>, transpose_lhs_hint = false} : vector<512x1xf32>, vector<512x128xf32>, vector<1x128xf32> -> vector<1x128xf32>
      %add3A_71 = arith.addf %get3A_68, %dot_general3A_70 : vector<1x128xf32>
      %swap3A_72 = arith.constant 0 : index
      %swap3A_73 = arith.constant 0 : index
      %swap3A_74 = vector.load %arg26[%swap3A_72, %swap3A_73] : memref<8x128xf32, #tpu.memory_space<vmem>>, vector<1x128xf32>
      tpu.vector_store %arg26[%swap3A_72, %swap3A_73], %add3A_71 {strides = array<i32>} : memref<8x128xf32, #tpu.memory_space<vmem>>, vector<1x128xf32>,
    } else {
    }
    %eq3A_31 = arith.constant 2 : i32
    %eq3A_32 = arith.cmpi eq, %arg0, %eq3A_31 : i32
    %convert_element_type3A_33 = arith.extui %eq3A_32 : i1 to i32
    %cond3A_34 = arith.constant 0 : i32
    %cond3A_35 = arith.cmpi ne, %convert_element_type3A_33, %cond3A_34 : i32
    scf.if %cond3A_35 {
      %mul3A = arith.constant 512 : i32
      %mul3A_36 = arith.muli %arg1, %mul3A : i32
      %get3A = arith.index_cast %mul3A_36 : i32 to index
      %get3A_37 = arith.constant 0 : index
      %get3A_38 = vector.load %arg19[%get3A, %get3A_37] : memref<16384x512xbf16, #tpu.memory_space<vmem>>, vector<512x512xbf16>
      %get3A_39 = arith.constant 0 : index
      %get3A_40 = arith.constant 0 : index
      %get3A_41 = vector.load %arg25[%get3A_39, %get3A_40] : memref<512x128xbf16, #tpu.memory_space<vmem>>, vector<512x128xbf16>
      %dot_general3A = arith.constant dense<0.000000e+00> : vector<512x128xf32>
      %dot_general3A_42 = tpu.matmul %get3A_38, %get3A_41, %dot_general3A {dimension_numbers = #tpu.dot_dimension_numbers<[1], [0], [0], [1], [0, 0, 1, 1], [], []>, transpose_lhs_hint = false} : vector<512x512xbf16>, vector<512x128xbf16>, vector<512x128xf32> -> vector<512x128xf32>
      %get3A_43 = arith.constant 0 : index
      %get3A_44 = arith.constant 0 : index
      %get3A_45 = vector.load %arg26[%get3A_43, %get3A_44] : memref<8x128xf32, #tpu.memory_space<vmem>>, vector<1x128xf32>
      %add3A = vector.broadcast %get3A_45 : vector<1x128xf32> to vector<512x128xf32>
      %add3A_46 = arith.addf %dot_general3A_42, %add3A : vector<512x128xf32>
      %swap3A = arith.constant 0 : index
      %swap3A_47 = arith.constant 0 : index
      %swap3A_48 = vector.load %arg17[%swap3A, %swap3A_47] : memref<512x128xf32, #tpu.memory_space<vmem>>, vector<512x128xf32>
      tpu.vector_store %arg17[%swap3A, %swap3A_47], %add3A_46 {strides = array<i32>} : memref<512x128xf32, #tpu.memory_space<vmem>>, vector<512x128xf32>,
    } else {
    }
    return
  }
  func.func @transform_0(%arg0: i32, %arg1: i32) -> (i32, i32) {
    %eq3A = arith.constant 0 : i32
    %eq3A_0 = arith.cmpi eq, %arg0, %eq3A : i32
    %jit3A = arith.constant 31 : i32
    %select_n3A = arith.select %eq3A_0, %arg1, %jit3A : i32
    %c0_i32 = arith.constant 0 : i32
    %c0_i32_1 = arith.constant 0 : i32
    return %c0_i32, %select_n3A : i32, i32
  }
  func.func @transform_1(%arg0: i32, %arg1: i32) -> (i32, i32) {
    %c0_i32 = arith.constant 0 : i32
    %c0_i32_0 = arith.constant 0 : i32
    %c0_i32_1 = arith.constant 0 : i32
    return %c0_i32, %c0_i32_0 : i32, i32
  }
  func.func @transform_2(%arg0: i32, %arg1: i32) -> (i32, i32) {
    %c0_i32 = arith.constant 0 : i32
    %c0_i32_0 = arith.constant 0 : i32
    %c0_i32_1 = arith.constant 0 : i32
    return %c0_i32, %c0_i32_0 : i32, i32
  }
  func.func @transform_3(%arg0: i32, %arg1: i32) -> (i32, i32) {
    %c0_i32 = arith.constant 0 : i32
    %c0_i32_0 = arith.constant 0 : i32
    %c0_i32_1 = arith.constant 0 : i32
    return %c0_i32, %c0_i32_0 : i32, i32
  }
  func.func @transform_4(%arg0: i32, %arg1: i32) -> (i32, i32) {
    %c0_i32 = arith.constant 0 : i32
    %c0_i32_0 = arith.constant 0 : i32
    %c0_i32_1 = arith.constant 0 : i32
    return %c0_i32, %c0_i32_0 : i32, i32
  }
  func.func @transform_5(%arg0: i32, %arg1: i32) -> (i32, i32) {
    %c0_i32 = arith.constant 0 : i32
    %c0_i32_0 = arith.constant 0 : i32
    %c0_i32_1 = arith.constant 0 : i32
    return %c0_i32, %c0_i32_0 : i32, i32
  }
  func.func @transform_6(%arg0: i32, %arg1: i32) -> (i32, i32) {
    %c0_i32 = arith.constant 0 : i32
    %c0_i32_0 = arith.constant 0 : i32
    %c0_i32_1 = arith.constant 0 : i32
    return %c0_i32, %c0_i32_0 : i32, i32
  }
  func.func @transform_7(%arg0: i32, %arg1: i32) -> (i32, i32) {
    %c0_i32 = arith.constant 0 : i32
    %c0_i32_0 = arith.constant 0 : i32
    %c0_i32_1 = arith.constant 0 : i32
    return %c0_i32, %c0_i32_0 : i32, i32
  }
  func.func @transform_8(%arg0: i32, %arg1: i32) -> (i32, i32) {
    %c0_i32 = arith.constant 0 : i32
    %c0_i32_0 = arith.constant 0 : i32
    %c0_i32_1 = arith.constant 0 : i32
    return %c0_i32, %c0_i32_0 : i32, i32
  }
  func.func @transform_9(%arg0: i32, %arg1: i32) -> (i32, i32) {
    %c0_i32 = arith.constant 0 : i32
    %c0_i32_0 = arith.constant 0 : i32
    %c0_i32_1 = arith.constant 0 : i32
    return %c0_i32, %c0_i32_0 : i32, i32
  }
  func.func @transform_10(%arg0: i32, %arg1: i32) -> (i32, i32) {
    %c0_i32 = arith.constant 0 : i32
    %c0_i32_0 = arith.constant 0 : i32
    %c0_i32_1 = arith.constant 0 : i32
    return %c0_i32, %c0_i32_0 : i32, i32
  }
  func.func @transform_11(%arg0: i32, %arg1: i32) -> (i32, i32) {
    %c0_i32 = arith.constant 0 : i32
    %c0_i32_0 = arith.constant 0 : i32
    %c0_i32_1 = arith.constant 0 : i32
    return %c0_i32, %c0_i32_0 : i32, i32
  }
  func.func @transform_12(%arg0: i32, %arg1: i32) -> (i32, i32) {
    %c0_i32 = arith.constant 0 : i32
    %c0_i32_0 = arith.constant 0 : i32
    %c0_i32_1 = arith.constant 0 : i32
    return %c0_i32, %c0_i32_0 : i32, i32
  }
  func.func @transform_13(%arg0: i32, %arg1: i32) -> (i32, i32) {
    %c0_i32 = arith.constant 0 : i32
    %c0_i32_0 = arith.constant 0 : i32
    %c0_i32_1 = arith.constant 0 : i32
    return %c0_i32, %c0_i32_0 : i32, i32
  }
  func.func @transform_14(%arg0: i32, %arg1: i32) -> (i32, i32) {
    %c0_i32 = arith.constant 0 : i32
    %c0_i32_0 = arith.constant 0 : i32
    %c0_i32_1 = arith.constant 0 : i32
    return %c0_i32, %c0_i32_0 : i32, i32
  }
  func.func @transform_15(%arg0: i32, %arg1: i32) -> (i32, i32) {
    %eq3A = arith.constant 2 : i32
    %eq3A_0 = arith.cmpi eq, %arg0, %eq3A : i32
    %jit3A = arith.constant 0 : i32
    %select_n3A = arith.select %eq3A_0, %arg1, %jit3A : i32
    %c0_i32 = arith.constant 0 : i32
    %c0_i32_1 = arith.constant 0 : i32
    return %select_n3A, %c0_i32 : i32, i32
  }
}

</mosaic_0001>

<sc_bundles>
// kernel: kernel.4.cloned.1.call-start
scs
__scs_entry_jumppad:
0x0: {  	(pc) =	sbr.rel $0x88, $3  }
0x1: {  	(tag) =	ssettag $0x0;
	lr =	simm.s32 $0x1  }
0x2: {  	[smem:$0x3F92] =	sst lr;
	_ =	strace $0xD0000000  }
0x3: {  	_ = 	snop  }
0x4: {  	_ = 	snop  }
0x5: {  	_ = 	snop  }
0x6: {  	_ = 	snop  }
0x7: {  	_ = 	snop  }
__scs_overlays_trampoline_lowered:
0x8: {  	[smem:$0x3FA1] =	sst s0  }
0x9: {  	[smem:$0x3FA2] =	sst s1  }
0xa: {  	[smem:$0x3FA3] =	sst s2  }
0xb: {  	[smem:$0x3FA4] =	sst s3  }
0xc: {  	[smem:$0x3FA5] =	sst s4  }
0xd: {  	[smem:$0x3FA6] =	sst s5  }
0xe: {  	[smem:$0x3FA7] =	sst s6  }
0xf: {  	[smem:$0x3FA8] =	sst s7  }
0x10: {  	[smem:$0x3FA9] =	sst s8  }
0x11: {  	[smem:$0x3FAA] =	sst s9;
	s0 =	simm.s32 @!p0 $0x0  }
0x12: {  	s1 =	sld [smem:$0x3F90];
	s0 =	simm.s32 @p0 $0x1  }
0x13: {  	[smem:$0x3FAB] =	sst s0;
	s0 =	simm.s32 @!p1 $0x0  }
0x14: {  	s2 =	sld [smem:$0x3F8F];
	s0 =	simm.s32 @p1 $0x1  }
0x15: {  	[smem:$0x3FAC] =	sst s0;
	s0 =	simm.s32 @!p2 $0x0  }
0x16: {  	s3 =	sld [smem:$0x3FDB];
	s0 =	simm.s32 @p2 $0x1  }
0x17: {  	s4 =	simm.s32 $0x1BF5;
	[smem:$0x3FAE] =	sst s0  }
0x18: {  	s0 =	sld [smem:$0x3F91];
	_ =	swait.ge [sflag:s4], $0x0  }
0x19: {  	s7 =	sld [smem:$0x3F92]  }
0x1a: {  	s8 =	sadd.s32 $0xFFFFE003, lr  }
0x1b: {  	s9 =	sadd.s32 $0xFFFFFEF7, lr;
	s5 =	simm.s32 $0xFFFFFFFF;
	p2 =	slt.u32 s8, $0xFFFFF086  }
0x1c: {  	p1 =	slt.u32 s9, $0xF7A;
	s5 =	simm.s32 @!p2 $0x0  }
0x1d: {  	s5 =	simm.s32 @p1 $0x1;
	p0 =	seq.s32 s7, s2  }
0x1e: {  	s7 =	smul.u32 @!p0 $0xF7A, s2;
	p2 =	seq.s32 @!p0 s5, $0x0  }
0x1f: {  	s9 =	smul.u32 $0xF7A, s1;
	s8 =	simm.s32 @!p0 $0x1BF5;
	p2 =	por !p2, p0  }
0x20: {  	[sflag:s8] =	ssyncset.s32 @!p0 $0xFFFFF086;
	s6 =	sadd.s32 @!p0 s3, s7;
	s7 =	simm.s32 @!p0 $0x108  }
0x21: {  	s3 =	sadd.s32 s3, s9;
	s6 =	sadd.s32 @!p0 $0x88, s6;
	s7 =	simm.s32 @p2 $0x1082  }
0x22: {  	[simem:s7], [sflag:s8] =	dma.local @!p0 [hbm:s6], $0xF7A  }
0x23: {  	s9 =	sor.u32 $0xD0000000, s2;
	s6 =	simm.s32 $0x108;
	_ =	swait.ge @!p0 [sflag:s8], $0x0  }
0x24: {  	s3 =	sadd.s32 $0x88, s3;
	s6 =	simm.s32 @!p1 $0x1082;
	[sflag:s4] =	ssyncset.s32 $0xFFFFF086  }
0x25: {  	[simem:s6], [sflag:s4] =	dma.local [hbm:s3], $0xF7A  }
0x26: {  	[smem:$0x3F92] =	sst s1;
	(tag) =	ssettag s2;
	_ =	strace s9  }
0x27: {  	s1 =	sld [smem:$0x3FA2]  }
0x28: {  	s2 =	sld [smem:$0x3FA3]  }
0x29: {  	s4 =	sld [smem:$0x3FA5]  }
0x2a: {  	p0 =	seq.s32 s5, $0x0;
	s5 =	sld [smem:$0x3FA6]  }
0x2b: {  	s6 =	sld [smem:$0x3FA7]  }
0x2c: {  	s7 =	sld [smem:$0x3FA8]  }
0x2d: {  	s3 =	simm.s32 $0x108;
	s8 =	sld [smem:$0x3FA9]  }
0x2e: {  	s3 =	simm.s32 @!p0 $0x1082;
	s9 =	sld [smem:$0x3FAA]  }
0x2f: {  	lr =	sadd.s32 s0, s3;
	s0 =	sld [smem:$0x3FA1]  }
0x30: {  	s3 =	sld [smem:$0x3FA4]  }
0x31: {  	[smem:$0x3FAD] =	sst s10  }
0x32: {  	s10 =	sld [smem:$0x3FAB];
	_ =	sdelay $0x3  }
0x33: {  	p0 =	seq.s32 s10, $0x1;
	s10 =	sld [smem:$0x3FAD];
	_ =	sdelay $0x3  }
0x34: {  	[smem:$0x3FAD] =	sst s10  }
0x35: {  	s10 =	sld [smem:$0x3FAC];
	_ =	sdelay $0x3  }
0x36: {  	p1 =	seq.s32 s10, $0x1;
	s10 =	sld [smem:$0x3FAD];
	_ =	sdelay $0x3  }
0x37: {  	[smem:$0x3FAD] =	sst s10  }
0x38: {  	s10 =	sld [smem:$0x3FAE]  }
0x39: {  	_ = 	snop;
	(pc) =	sbr.ind lr, $3  }
0x3a: {  	_ = 	snop  }
0x3b: {  	_ = 	snop  }
0x3c: {  	p2 =	seq.s32 s10, $0x1;
	s10 =	sld [smem:$0x3FAD]  }
0x3d: {  	_ =	shalt  }
0x3e: {  	_ =	shalt  }
0x3f: {  	_ =	shalt  }
0x40: {  	_ =	shalt  }
0x41: {  	_ =	shalt  }
0x42: {  	_ =	shalt  }
0x43: {  	_ =	shalt  }
0x44: {  	_ =	shalt  }
0x45: {  	_ =	shalt  }
0x46: {  	_ =	shalt  }
0x47: {  	_ =	shalt  }
0x48: {  	_ =	shalt  }
0x49: {  	_ =	shalt  }
0x4a: {  	_ =	shalt  }
0x4b: {  	_ =	shalt  }
0x4c: {  	_ =	shalt  }
0x4d: {  	_ =	shalt  }
0x4e: {  	_ =	shalt  }
0x4f: {  	_ =	shalt  }
0x50: {  	_ =	shalt  }
0x51: {  	_ =	shalt  }
0x52: {  	_ =	shalt  }
0x53: {  	_ =	shalt  }
0x54: {  	_ =	shalt  }
0x55: {  	_ =	shalt  }
0x56: {  	_ =	shalt  }
0x57: {  	_ =	shalt  }
0x58: {  	_ =	shalt  }
0x59: {  	_ =	shalt  }
0x5a: {  	_ =	shalt  }
0x5b: {  	_ =	shalt  }
0x5c: {  	_ =	shalt  }
0x5d: {  	_ =	shalt  }
0x5e: {  	_ =	shalt  }
0x5f: {  	_ =	shalt  }
0x60: {  	_ =	shalt  }
0x61: {  	_ =	shalt  }
0x62: {  	_ =	shalt  }
0x63: {  	_ =	shalt  }
0x64: {  	_ =	shalt  }
0x65: {  	_ =	shalt  }
0x66: {  	_ =	shalt  }
0x67: {  	_ =	shalt  }
0x68: {  	_ =	shalt  }
0x69: {  	_ =	shalt  }
0x6a: {  	_ =	shalt  }
0x6b: {  	_ =	shalt  }
0x6c: {  	_ =	shalt  }
0x6d: {  	_ =	shalt  }
0x6e: {  	_ =	shalt  }
0x6f: {  	_ =	shalt  }
0x70: {  	_ =	shalt  }
0x71: {  	_ =	shalt  }
0x72: {  	_ =	shalt  }
0x73: {  	_ =	shalt  }
0x74: {  	_ =	shalt  }
0x75: {  	_ =	shalt  }
0x76: {  	_ =	shalt  }
0x77: {  	_ =	shalt  }
0x78: {  	_ =	shalt  }
0x79: {  	_ =	shalt  }
0x7a: {  	_ =	shalt  }
0x7b: {  	_ =	shalt  }
0x7c: {  	_ =	shalt  }
0x7d: {  	_ =	shalt  }
0x7e: {  	_ =	shalt  }
0x7f: {  	_ =	shalt  }
0x80: {  	_ =	shalt  }
0x81: {  	_ =	shalt  }
0x82: {  	_ =	shalt  }
0x83: {  	_ =	shalt  }
0x84: {  	_ =	shalt  }
0x85: {  	_ =	shalt  }
0x86: {  	_ =	shalt  }
0x87: {  	_ =	shalt  }
.Lfunc_end0:
.L_simem_size_0:
called_computation_lowered:
.L_overlay_start_0:
0x88: {  	s2 =	sld [smem:$0x3FD9]  }
0x89: {  	s3 =	sld [smem:$0x3FFE];
	_ =	sdelay $0x1  }
0x8a: {  	s1 =	srdreg.scid  }
0x8b: {  	s0 =	sand.u32 $0x1, s1  }
0x8c: {  	s17 =	sshll.u32 s0, $0xA;
	s2 =	sadd.s32 s3, s2  }
0x8d: {  	s2 =	sadd.s32 s2, s17  }
0x8e: {  	[smem:$0x3FB9] =	sst s2  }
0x8f: {  	_ = 	snop  }
0x90: {  	s2 =	sld [smem:$0x3FC9]  }
0x91: {  	s18 =	sld [smem:$0x3FC7];
	(tm) =	ssettm $0x1  }
0x92: {  	s4 =	sld [smem:$0x3FFB];
	_ =	sdelay $0x3  }
0x93: {  	_ =	strace s4  }
0x94: {  	s4 =	sld [smem:$0x3FFC];
	_ =	sdelay $0x3  }
0x95: {  	_ =	strace s4  }
0x96: {  	s4 =	sld [smem:$0x3FFD];
	_ =	sdelay $0x3  }
0x97: {  	_ =	strace s4  }
0x98: {  	_ =	strace $0x8FFFFFFF  }
0x99: {  	s19 =	sld [smem:$0x3FDB];
	_ =	sdelay $0x1  }
0x9a: {  	s5 =	simm.s32 $_scs_section_size  }
0x9b: {  	s6 =	simm.s32 $_size__tile_overlayer_lowered;
	s7 =	simm.s32 $_tile_overlayer_lowered  }
0x9c: {  	s22 =	simm.s32 $0x1BFF;
	s21 =	sshll.u32 s7, $0x1;
	s4 =	sadd.s32 s5, s19  }
0x9d: {  	s8 =	simm.s32 $0x0;
	s20 =	sshll.u32 s6, $0x1;
	s6 =	sadd.s32 s21, s4  }
0x9e: {  	[timem:s8], [sflag:s22] =	dma.local [hbm:s6], s20  }
0x9f: {  	_ =	swait.ge [sflag:s22], s20  }
0xa0: {  	s5 =	ssub.s32 $0x0, s20;
	[sflag:s22] =	ssyncset.done $0x0  }
0xa1: {  	[sflag:s22] =	ssyncadd.s32 s5;
	_ =	sdelay $0x1  }
0xa2: {  	s23 =	simm.s32 $0x1B8B  }
0xa3: {  	_ =	swait.ge [sflag:s23], $0x1  }
0xa4: {  	[sflag:s23] =	ssyncset.done $0x0  }
0xa5: {  	s25 =	simm.s32 $0x1B8E;
	s24 =	sld [smem:$0x3FFE];
	[sflag:s23] =	ssyncadd.s32 $0xFFFFFFFF  }
0xa6: {  	s26 =	simm.s32 $execute0_lowered;
	[smem:$0x3FD2] =	sst s25  }
0xa7: {  	s6 =	sshll.u32 s26, $0x1;
	_ =	strace $0x80000046;
	[dreg:$0x1] =	wrdreg $0xFFFFFFFF  }
0xa8: {  	s28 =	simm.s32 $_size_execute0_lowered;
	s4 =	sadd.s32 s4, s6;
	[dreg:$0x0] =	wrdreg $0x0  }
0xa9: {  	s6 =	sshll.u32 s28, $0x1;
	[dreg:$0x2] =	wrdreg s4  }
0xaa: {  	[dreg:$0x3] =	wrdreg s6  }
0xab: {  	[dreg:$0x4] =	wrdreg $0xC0  }
0xac: {  	_ =	task [dreg:s8], $0x5FFFF  }
0xad: {  	[dreg:$0x1] =	wrdreg $0xFFFFFFFF  }
0xae: {  	[dreg:$0x0] =	wrdreg $0x60  }
0xaf: {  	[dreg:$0x2] =	wrdreg s18  }
0xb0: {  	[dreg:$0x3] =	wrdreg s2  }
0xb1: {  	[dreg:$0x4] =	wrdreg s24  }
0xb2: {  	[dreg:$0x5] =	wrdreg $0x9  }
0xb3: {  	_ =	task.clear_ibuf [dreg:s8], $0x6FFFF;
	_ =	strace $0x90000046  }
0xb4: {  	s29 =	simm.s32 $0x9;
	_ =	strace $0x80000048  }
0xb5: {  	_ =	swait.ge [sflag:s29], $0x1  }
0xb6: {  	[sflag:s29] =	ssyncadd.s32 $0xFFFFFFFF  }
0xb7: {  	_ =	strace $0x90000048  }
0xb8: {  	_ =	sfence  }
0xb9: {  	s30 =	sld [smem:$0x0];
	_ =	sdelay $0x2  }
0xba: {  	s31 =	sshll.u32 s1, $0xD;
	s1 =	sshrl.u32 s1, $0x2  }
0xbb: {  	s3 =	sand.u32 $0x4000, s31;
	s1 =	sadd.s32 s1, s30  }
0xbc: {  	s0 =	sor.u32 s3, s0;
	s1 =	sshll.u32 s1, $0x11  }
0xbd: {  	s0 =	sor.u32 s1, s0  }
0xbe: {  	s0 =	sadd.s32 $0x8F2B, s0  }
0xbf: {  	[sflag:s0] =	ssyncadd.remote.s32 $0x1  }
0xc0: {  	_ =	sfence.sel $0xFFFF  }
0xc1: {  	[dreg:$0x0] =	wrdreg $0xFFFFFFFF;
	(pc) =	sbr.abs _section_cstart, $3  }
0xc2: {  	[dreg:$0x1] =	wrdreg $0xFFFFFFFF  }
0xc3: {  	_ =	task.clear_ibuf [dreg:s8], $0x2FFFF;
	_ =	strace $0x9FFFFFFF  }
0xc4: {  	(tm) =	ssettm $0x7FFFFFFF  }
0xc5: {  	_ =	shalt  }
tec
execute0_lowered:
.L_overlay_start_1:
0x0: {  	(tag) =	ssettag $0x1  }
0x1: {  	s1 =	rddreg [dreg:$0x0]  }
0x2: {  	s2 =	rddreg [dreg:$0x1]  }
0x3: {  	s8 =	rddreg [dreg:$0x2]  }
0x4: {  	s0 =	rddreg [dreg:$0x3];
	s5 =	srdreg.scid  }
0x5: {  	s4 =	simm.s32 $0x0;
	s3 =	stileid.u32;
	s10 =	simm.s32 $0x80  }
0x6: {  	s11 =	simm.s32 $0x400;
	s12 =	simm.s32 $0x18700;
	s13 =	simm.s32 $0x3  }
0x7: {  	s14 =	simm.s32 $0x1A700;
	s15 =	simm.s32 $0x1;
	s16 =	simm.s32 $0x1C700  }
0x8: {  	s17 =	simm.s32 $0x2;
	s18 =	simm.s32 $0x0;
	s5 =	sand.u32 $0x1, s5  }
0x9: {  	[smem:$0x7FF] =	sst s4;
	s7 =	sshll.u32 s3, $0x1;
	s6 =	ssub.s32 $0x2, s5  }
0xa: {  	_ =	strace $0x80000047;
	s7 =	sor.u32 s5, s7;
	s9 =	sshrl.u32 s6, $0x1  }
0xb: {  	s5 =	sadd.s32 $0x1E00, s8;
	s8 =	sadd.s32 $0x3E00, s8;
	s9 =	ssub.s32 s6, s9  }
0xc: {  	s6 =	smul.u32 $0xD, s7;
	s7 =	sadd.s32 $0x2000, s2;
	s9 =	smax.u32 s9, $0x1  }
.LBB2_1:
0xd: {  	s19 =	simm.s32 $0x0  }
.LBB2_2:
0xe: {  	s20 =	sadd.s32 s6, s19  }
0xf: {  	s21 =	sshrl.u32 s20, $0x4;
	s22 =	sand.u32 $0xF, s20  }
0x10: {  	p0 =	seq.s32 s19, $0x0;
	s23 =	smul.u32 $0x187000, s21;
	s24 =	sshrl.u32 s22, $0x3  }
0x11: {  	p1 =	seq.s32 @!p0 s22, $0x0;
	s24 =	smul.u32 $0xC3800, s24  }
0x12: {  	s25 =	sshll.u32 s20, $0x7;
	p1 =	por p0, p1  }
.Ltmp0:
0x13: {  	s31 =	sand.u32 $0x380, s25;
	s23 =	sadd.s32 s23, s24;
	(pc) =	sbr.rel @p1 .LBB2_4-.Ltmp0, $4  }
0x14: {  	s23 =	sor.u32 s31, s23  }
0x15: {  	s23 =	sshrl.u32 s23, $0x3  }
0x16: {  	s23 =	sadd.s32 s1, s23  }
0x17: {  	[tilespmem:s4], [sflag:$0x1] =	stream.strided.gather [hbm4b:s23+s10], $0x18700, s11, s10, $0x38;
	[tilespmem:$0x1E700] =	vst v63  }
.Ltmp1:
0x18: {  	(pc) =	sbr.rel .LBB2_5-.Ltmp1, $4  }
0x19: {  	_ = 	snop  }
0x1a: {  	_ =	swait.ge [sflag:s15], $0x18700  }
0x1b: {  	[sflag:s15] =	ssyncset.done $0x0  }
0x1c: {  	[sflag:s15] =	ssyncadd.s32 $0xFFFE7900  }
.LBB2_4:
0x1d: {  	s21 =	sshll.u32 s21, $0xB  }
0x1e: {  	s22 =	sand.u32 $0x70, s20;
	s21 =	sand.u32 $0xFFFC000, s21  }
0x1f: {  	s21 =	sor.u32 s22, s21  }
0x20: {  	s22 =	sadd.s32 s2, s21  }
0x21: {  	[tilespmem:s12], [sflag:$0x3] =	stream.strided.gather [hbm4b:s22+s10], $0x2000, s11, s10, $0x38;
	[tilespmem:$0x1E700] =	vst v63  }
0x22: {  	_ =	swait.ge [sflag:s13], $0x2000  }
0x23: {  	[sflag:s13] =	ssyncset.done $0x0  }
0x24: {  	s21 =	sadd.s32 s21, s7;
	[sflag:s13] =	ssyncadd.s32 $0xFFFFE000  }
0x25: {  	[tilespmem:s14], [sflag:$0x3] =	stream.strided.gather [hbm4b:s21+s10], $0x2000, s11, s10, $0x38;
	[tilespmem:$0x1E700] =	vst v63  }
0x26: {  	_ =	swait.ge [sflag:s13], $0x2000  }
.Ltmp2:
0x27: {  	[sflag:s13] =	ssyncset.done $0x0;
	(pc) =	sbr.rel @p0 .LBB2_6-.Ltmp2, $4  }
0x28: {  	[sflag:s13] =	ssyncadd.s32 $0xFFFFE000  }
0x29: {  	_ =	swait.ge [sflag:s15], $0x18700  }
0x2a: {  	[sflag:s15] =	ssyncset.done $0x0  }
0x2b: {  	[sflag:s15] =	ssyncadd.s32 $0xFFFE7900  }
.LBB2_5:
0x2c: {  	_ =	swait.ge [sflag:s17], $0x2000  }
0x2d: {  	[sflag:s17] =	ssyncset.done $0x0  }
0x2e: {  	[sflag:s17] =	ssyncadd.s32 $0xFFFFE000  }
.LBB2_6:
0x2f: {  	s21 =	simm.s32 $0x0  }
0x30: {  	v14 =	vld [tilespmem:s21+$0x18700]  }
0x31: {  	v0 =	vld [tilespmem:s21+$0x18710]  }
0x32: {  	v1 =	vld [tilespmem:s21+$0x18720]  }
0x33: {  	v2 =	vld [tilespmem:s21+$0x18730]  }
0x34: {  	v3 =	vld [tilespmem:s21+$0x18740]  }
0x35: {  	v4 =	vld [tilespmem:s21+$0x18750]  }
0x36: {  	v5 =	vld [tilespmem:s21+$0x18760]  }
0x37: {  	v7 =	vld [tilespmem:s21+$0x18770]  }
0x38: {  	v9 =	vld [tilespmem:s21+$0x18780]  }
0x39: {  	v6 =	vld [tilespmem:s21+$0x18790]  }
0x3a: {  	v8 =	vld [tilespmem:s21+$0x187A0]  }
0x3b: {  	v10 =	vld [tilespmem:s21+$0x187B0]  }
0x3c: {  	v11 =	vld [tilespmem:s21+$0x187C0]  }
0x3d: {  	v12 =	vld [tilespmem:s21+$0x187D0]  }
0x3e: {  	v13 =	vld [tilespmem:s21+$0x187E0]  }
0x3f: {  	v15 =	vld [tilespmem:s21+$0x187F0]  }
0x40: {  	s22 =	simm.s32 $0x400;
	v14 =	vld.idx.msk [tilespmem:v14+s4+$0x0], $0xffff  }
.LBB2_7:
0x41: {  	p0 =	sne.s32 s22, $0x7C00;
	v16 =	vld.idx.msk [tilespmem:v0+s4+$0x0], $0xffff  }
0x42: {  	v17 =	vld.idx.msk [tilespmem:v1+s4+$0x0], $0xffff  }
0x43: {  	v18 =	vld.idx.msk [tilespmem:v2+s4+$0x0], $0xffff  }
0x44: {  	v19 =	vld.idx.msk [tilespmem:v3+s4+$0x0], $0xffff  }
0x45: {  	v20 =	vld.idx.msk [tilespmem:v4+s4+$0x0], $0xffff  }
0x46: {  	v21 =	vld.idx.msk [tilespmem:v5+s4+$0x0], $0xffff  }
0x47: {  	v22 =	vld.idx.msk [tilespmem:v7+s4+$0x0], $0xffff  }
0x48: {  	v23 =	vld.idx.msk [tilespmem:v9+s4+$0x0], $0xffff  }
0x49: {  	v0 =	vld.idx.msk [tilespmem:v15+s4+$0x0], $0xffff  }
0x4a: {  	v15 =	vld.idx.msk [tilespmem:v6+s4+$0x0], $0xffff  }
0x4b: {  	v24 =	vld.idx.msk [tilespmem:v8+s4+$0x0], $0xffff  }
0x4c: {  	v25 =	vld.idx.msk [tilespmem:v10+s4+$0x0], $0xffff  }
0x4d: {  	v26 =	vld.idx.msk [tilespmem:v11+s4+$0x0], $0xffff  }
0x4e: {  	v27 =	vld.idx.msk [tilespmem:v12+s4+$0x0], $0xffff  }
0x4f: {  	s23 =	sshra.s32 s22, $0x2;
	v28 =	vld.idx.msk [tilespmem:v13+s4+$0x0], $0xffff;
	[tilespmem:s21+$0x1C7F0] =	vst v0  }
0x50: {  	v29 =	vld [tilespmem:s23+$0x18700];
	[tilespmem:s21+$0x1C700] =	vst v14  }
0x51: {  	v0 =	vld [tilespmem:s23+$0x18710];
	[tilespmem:s21+$0x1C710] =	vst v16  }
0x52: {  	v1 =	vld [tilespmem:s23+$0x18720];
	[tilespmem:s21+$0x1C720] =	vst v17  }
0x53: {  	v2 =	vld [tilespmem:s23+$0x18730];
	[tilespmem:s21+$0x1C730] =	vst v18  }
0x54: {  	v3 =	vld [tilespmem:s23+$0x18740];
	[tilespmem:s21+$0x1C740] =	vst v19  }
0x55: {  	v4 =	vld [tilespmem:s23+$0x18750];
	[tilespmem:s21+$0x1C750] =	vst v20  }
0x56: {  	v5 =	vld [tilespmem:s23+$0x18760];
	[tilespmem:s21+$0x1C760] =	vst v21  }
0x57: {  	v7 =	vld [tilespmem:s23+$0x18770];
	[tilespmem:s21+$0x1C770] =	vst v22  }
0x58: {  	v9 =	vld [tilespmem:s23+$0x18780];
	[tilespmem:s21+$0x1C780] =	vst v23  }
0x59: {  	v6 =	vld [tilespmem:s23+$0x18790];
	[tilespmem:s21+$0x1C790] =	vst v15  }
0x5a: {  	v8 =	vld [tilespmem:s23+$0x187A0];
	[tilespmem:s21+$0x1C7A0] =	vst v24  }
0x5b: {  	v10 =	vld [tilespmem:s23+$0x187B0];
	[tilespmem:s21+$0x1C7B0] =	vst v25  }
.Ltmp3:
0x5c: {  	v11 =	vld [tilespmem:s23+$0x187C0];
	[tilespmem:s21+$0x1C7C0] =	vst v26;
	(pc) =	sbr.rel @p0 .LBB2_7-.Ltmp3, $4  }
0x5d: {  	v12 =	vld [tilespmem:s23+$0x187D0];
	[tilespmem:s21+$0x1C7D0] =	vst v27  }
0x5e: {  	v13 =	vld [tilespmem:s23+$0x187E0];
	[tilespmem:s21+$0x1C7E0] =	vst v28;
	s21 =	smov.u32 s23  }
0x5f: {  	v15 =	vld [tilespmem:s21+$0x187F0]  }
0x60: {  	s22 =	sadd.s32 $0x400, s22;
	v14 =	vld.idx.msk [tilespmem:v29+s4+$0x0], $0xffff  }
0x61: {  	_ =	sdelay $0x3  }
0x62: {  	v0 =	vld.idx.msk [tilespmem:v0+s4+$0x0], $0xffff  }
0x63: {  	v1 =	vld.idx.msk [tilespmem:v1+s4+$0x0], $0xffff  }
0x64: {  	v2 =	vld.idx.msk [tilespmem:v2+s4+$0x0], $0xffff  }
0x65: {  	v3 =	vld.idx.msk [tilespmem:v3+s4+$0x0], $0xffff  }
0x66: {  	v4 =	vld.idx.msk [tilespmem:v4+s4+$0x0], $0xffff  }
0x67: {  	v5 =	vld.idx.msk [tilespmem:v5+s4+$0x0], $0xffff  }
0x68: {  	v7 =	vld.idx.msk [tilespmem:v7+s4+$0x0], $0xffff  }
0x69: {  	v9 =	vld.idx.msk [tilespmem:v9+s4+$0x0], $0xffff  }
0x6a: {  	v6 =	vld.idx.msk [tilespmem:v6+s4+$0x0], $0xffff  }
0x6b: {  	v8 =	vld.idx.msk [tilespmem:v8+s4+$0x0], $0xffff  }
0x6c: {  	v10 =	vld.idx.msk [tilespmem:v10+s4+$0x0], $0xffff  }
0x6d: {  	v11 =	vld.idx.msk [tilespmem:v11+s4+$0x0], $0xffff  }
0x6e: {  	v12 =	vld.idx.msk [tilespmem:v12+s4+$0x0], $0xffff  }
0x6f: {  	v13 =	vld.idx.msk [tilespmem:v13+s4+$0x0], $0xffff  }
0x70: {  	v15 =	vld.idx.msk [tilespmem:v15+s4+$0x0], $0xffff;
	[tilespmem:s21+$0x1C700] =	vst v14  }
0x71: {  	[tilespmem:s21+$0x1C710] =	vst v0  }
0x72: {  	[tilespmem:s21+$0x1C720] =	vst v1  }
0x73: {  	[tilespmem:s21+$0x1C730] =	vst v2  }
0x74: {  	[tilespmem:s21+$0x1C740] =	vst v3  }
0x75: {  	[tilespmem:s21+$0x1C750] =	vst v4  }
0x76: {  	[tilespmem:s21+$0x1C760] =	vst v5  }
0x77: {  	[tilespmem:s21+$0x1C770] =	vst v7  }
0x78: {  	[tilespmem:s21+$0x1C780] =	vst v9  }
0x79: {  	[tilespmem:s21+$0x1C790] =	vst v6  }
0x7a: {  	[tilespmem:s21+$0x1C7A0] =	vst v8  }
0x7b: {  	[tilespmem:s21+$0x1C7B0] =	vst v10  }
0x7c: {  	s22 =	sshll.u32 s20, $0xB;
	s31 =	sshll.u32 s20, $0x4;
	[tilespmem:s21+$0x1C7C0] =	vst v11  }
0x7d: {  	s22 =	sand.u32 $0xFFFC000, s22;
	s20 =	sand.u32 $0x70, s31;
	[tilespmem:s21+$0x1C7D0] =	vst v12  }
0x7e: {  	s22 =	sor.u32 s20, s22;
	[tilespmem:s21+$0x1C7E0] =	vst v13  }
0x7f: {  	s20 =	sadd.s32 s5, s22;
	[tilespmem:s21+$0x1C7F0] =	vst v15  }
0x80: {  	[hbm4b:s20+s10] =	stream.strided.scatter [tilespmem:s16], [sflag:$0x2], $0x2000, s11, s10, $0x38;
	[tilespmem:$0x1E700] =	vst v63  }
0x81: {  	_ =	swait.ge [sflag:s17], $0x2000  }
0x82: {  	[sflag:s17] =	ssyncset.done $0x0  }
0x83: {  	s20 =	simm.s32 $0x0;
	[sflag:s17] =	ssyncadd.s32 $0xFFFFE000  }
0x84: {  	v14 =	vld [tilespmem:s20+$0x1A700]  }
0x85: {  	v0 =	vld [tilespmem:s20+$0x1A710]  }
0x86: {  	v1 =	vld [tilespmem:s20+$0x1A720]  }
0x87: {  	v2 =	vld [tilespmem:s20+$0x1A730]  }
0x88: {  	v3 =	vld [tilespmem:s20+$0x1A740]  }
0x89: {  	v4 =	vld [tilespmem:s20+$0x1A750]  }
0x8a: {  	v5 =	vld [tilespmem:s20+$0x1A760]  }
0x8b: {  	v7 =	vld [tilespmem:s20+$0x1A770]  }
0x8c: {  	v9 =	vld [tilespmem:s20+$0x1A780]  }
0x8d: {  	v6 =	vld [tilespmem:s20+$0x1A790]  }
0x8e: {  	v8 =	vld [tilespmem:s20+$0x1A7A0]  }
0x8f: {  	v10 =	vld [tilespmem:s20+$0x1A7B0]  }
0x90: {  	v11 =	vld [tilespmem:s20+$0x1A7C0]  }
0x91: {  	v12 =	vld [tilespmem:s20+$0x1A7D0]  }
0x92: {  	v13 =	vld [tilespmem:s20+$0x1A7E0]  }
0x93: {  	v15 =	vld [tilespmem:s20+$0x1A7F0]  }
0x94: {  	s21 =	sadd.s32 s22, s8;
	s22 =	simm.s32 $0x400;
	v14 =	vld.idx.msk [tilespmem:v14+s4+$0x0], $0xffff  }
.LBB2_9:
0x95: {  	p0 =	sne.s32 s22, $0x7C00;
	v16 =	vld.idx.msk [tilespmem:v0+s4+$0x0], $0xffff  }
0x96: {  	v17 =	vld.idx.msk [tilespmem:v1+s4+$0x0], $0xffff  }
0x97: {  	v18 =	vld.idx.msk [tilespmem:v2+s4+$0x0], $0xffff  }
0x98: {  	v19 =	vld.idx.msk [tilespmem:v3+s4+$0x0], $0xffff  }
0x99: {  	v20 =	vld.idx.msk [tilespmem:v4+s4+$0x0], $0xffff  }
0x9a: {  	v21 =	vld.idx.msk [tilespmem:v5+s4+$0x0], $0xffff  }
0x9b: {  	v22 =	vld.idx.msk [tilespmem:v7+s4+$0x0], $0xffff  }
0x9c: {  	v23 =	vld.idx.msk [tilespmem:v9+s4+$0x0], $0xffff  }
0x9d: {  	v0 =	vld.idx.msk [tilespmem:v15+s4+$0x0], $0xffff  }
0x9e: {  	v15 =	vld.idx.msk [tilespmem:v6+s4+$0x0], $0xffff  }
0x9f: {  	v24 =	vld.idx.msk [tilespmem:v8+s4+$0x0], $0xffff  }
0xa0: {  	v25 =	vld.idx.msk [tilespmem:v10+s4+$0x0], $0xffff  }
0xa1: {  	v26 =	vld.idx.msk [tilespmem:v11+s4+$0x0], $0xffff  }
0xa2: {  	v27 =	vld.idx.msk [tilespmem:v12+s4+$0x0], $0xffff  }
0xa3: {  	s23 =	sshra.s32 s22, $0x2;
	v28 =	vld.idx.msk [tilespmem:v13+s4+$0x0], $0xffff;
	[tilespmem:s20+$0x1C7F0] =	vst v0  }
0xa4: {  	v29 =	vld [tilespmem:s23+$0x1A700];
	[tilespmem:s20+$0x1C700] =	vst v14  }
0xa5: {  	v0 =	vld [tilespmem:s23+$0x1A710];
	[tilespmem:s20+$0x1C710] =	vst v16  }
0xa6: {  	v1 =	vld [tilespmem:s23+$0x1A720];
	[tilespmem:s20+$0x1C720] =	vst v17  }
0xa7: {  	v2 =	vld [tilespmem:s23+$0x1A730];
	[tilespmem:s20+$0x1C730] =	vst v18  }
0xa8: {  	v3 =	vld [tilespmem:s23+$0x1A740];
	[tilespmem:s20+$0x1C740] =	vst v19  }
0xa9: {  	v4 =	vld [tilespmem:s23+$0x1A750];
	[tilespmem:s20+$0x1C750] =	vst v20  }
0xaa: {  	v5 =	vld [tilespmem:s23+$0x1A760];
	[tilespmem:s20+$0x1C760] =	vst v21  }
0xab: {  	v7 =	vld [tilespmem:s23+$0x1A770];
	[tilespmem:s20+$0x1C770] =	vst v22  }
0xac: {  	v9 =	vld [tilespmem:s23+$0x1A780];
	[tilespmem:s20+$0x1C780] =	vst v23  }
0xad: {  	v6 =	vld [tilespmem:s23+$0x1A790];
	[tilespmem:s20+$0x1C790] =	vst v15  }
0xae: {  	v8 =	vld [tilespmem:s23+$0x1A7A0];
	[tilespmem:s20+$0x1C7A0] =	vst v24  }
0xaf: {  	v10 =	vld [tilespmem:s23+$0x1A7B0];
	[tilespmem:s20+$0x1C7B0] =	vst v25  }
.Ltmp4:
0xb0: {  	v11 =	vld [tilespmem:s23+$0x1A7C0];
	[tilespmem:s20+$0x1C7C0] =	vst v26;
	(pc) =	sbr.rel @p0 .LBB2_9-.Ltmp4, $4  }
0xb1: {  	v12 =	vld [tilespmem:s23+$0x1A7D0];
	[tilespmem:s20+$0x1C7D0] =	vst v27  }
0xb2: {  	v13 =	vld [tilespmem:s23+$0x1A7E0];
	[tilespmem:s20+$0x1C7E0] =	vst v28;
	s20 =	smov.u32 s23  }
0xb3: {  	v15 =	vld [tilespmem:s20+$0x1A7F0]  }
0xb4: {  	s22 =	sadd.s32 $0x400, s22;
	v14 =	vld.idx.msk [tilespmem:v29+s4+$0x0], $0xffff  }
0xb5: {  	_ =	sdelay $0x3  }
0xb6: {  	v0 =	vld.idx.msk [tilespmem:v0+s4+$0x0], $0xffff  }
0xb7: {  	v1 =	vld.idx.msk [tilespmem:v1+s4+$0x0], $0xffff  }
0xb8: {  	v2 =	vld.idx.msk [tilespmem:v2+s4+$0x0], $0xffff  }
0xb9: {  	v3 =	vld.idx.msk [tilespmem:v3+s4+$0x0], $0xffff  }
0xba: {  	v4 =	vld.idx.msk [tilespmem:v4+s4+$0x0], $0xffff  }
0xbb: {  	v5 =	vld.idx.msk [tilespmem:v5+s4+$0x0], $0xffff  }
0xbc: {  	v7 =	vld.idx.msk [tilespmem:v7+s4+$0x0], $0xffff  }
0xbd: {  	v9 =	vld.idx.msk [tilespmem:v9+s4+$0x0], $0xffff  }
0xbe: {  	v6 =	vld.idx.msk [tilespmem:v6+s4+$0x0], $0xffff  }
0xbf: {  	v8 =	vld.idx.msk [tilespmem:v8+s4+$0x0], $0xffff  }
0xc0: {  	v10 =	vld.idx.msk [tilespmem:v10+s4+$0x0], $0xffff  }
0xc1: {  	v11 =	vld.idx.msk [tilespmem:v11+s4+$0x0], $0xffff  }
0xc2: {  	v12 =	vld.idx.msk [tilespmem:v12+s4+$0x0], $0xffff  }
0xc3: {  	v13 =	vld.idx.msk [tilespmem:v13+s4+$0x0], $0xffff  }
0xc4: {  	v15 =	vld.idx.msk [tilespmem:v15+s4+$0x0], $0xffff;
	[tilespmem:s20+$0x1C700] =	vst v14  }
0xc5: {  	[tilespmem:s20+$0x1C710] =	vst v0  }
0xc6: {  	[tilespmem:s20+$0x1C720] =	vst v1  }
0xc7: {  	[tilespmem:s20+$0x1C730] =	vst v2  }
0xc8: {  	[tilespmem:s20+$0x1C740] =	vst v3  }
0xc9: {  	[tilespmem:s20+$0x1C750] =	vst v4  }
0xca: {  	[tilespmem:s20+$0x1C760] =	vst v5  }
0xcb: {  	[tilespmem:s20+$0x1C770] =	vst v7  }
0xcc: {  	[tilespmem:s20+$0x1C780] =	vst v9  }
0xcd: {  	[tilespmem:s20+$0x1C790] =	vst v6  }
0xce: {  	s19 =	sadd.s32 $0x1, s19;
	[tilespmem:s20+$0x1C7A0] =	vst v8  }
0xcf: {  	p0 =	sne.s32 s19, $0xD;
	[tilespmem:s20+$0x1C7B0] =	vst v10  }
.Ltmp5:
0xd0: {  	[tilespmem:s20+$0x1C7C0] =	vst v11;
	(pc) =	sbr.rel @p0 .LBB2_2-.Ltmp5, $4  }
0xd1: {  	[tilespmem:s20+$0x1C7D0] =	vst v12  }
0xd2: {  	[tilespmem:s20+$0x1C7E0] =	vst v13  }
0xd3: {  	[tilespmem:s20+$0x1C7F0] =	vst v15  }
0xd4: {  	[hbm4b:s21+s10] =	stream.strided.scatter [tilespmem:s16], [sflag:$0x2], $0x2000, s11, s10, $0x38;
	[tilespmem:$0x1E700] =	vst v63  }
0xd5: {  	s18 =	sadd.s32 $0x1, s18  }
0xd6: {  	p0 =	sne.s32 s18, s9  }
.Ltmp6:
0xd7: {  	_ = 	snop;
	(pc) =	sbr.rel @p0 .LBB2_1-.Ltmp6, $4  }
0xd8: {  	_ = 	snop  }
0xd9: {  	_ =	swait.ge [sflag:s17], $0x2000  }
0xda: {  	[sflag:s17] =	ssyncset.done $0x0  }
0xdb: {  	[sflag:s17] =	ssyncadd.s32 $0xFFFFE000  }
0xdc: {  	_ =	sfence.sel $0x180000  }
0xdd: {  	[bflag:$0x0] =	sbarrier.arrive $0xFFFF  }
0xde: {  	p0 =	sne.s32 s3, $0x0;
	_ =	strace $0x90000047  }
0xdf: {  	s0 =	sadd.s32 @!p0 $0x100000, s0;
	[bflag:$0x2] =	sbarrier.arrive $0xFFFF  }
0xe0: {  	[sflag:s0] =	ssyncadd.tile.s32 @!p0 $0x1;
	_ =	shalt  }
.Lfunc_end2:
_tile_overlayer_lowered:
.L_overlay_start_2:
0xe1: {  	(tag) =	ssettag $0x2  }
0xe2: {  	s0 =	rddreg [dreg:$0x0];
	s2 =	stileid.u32  }
0xe3: {  	s1 =	rddreg [dreg:$0x1];
	p0 =	sne.s32 s2, $0x0  }
0xe4: {  	s3 =	rddreg [dreg:$0x2];
	[bflag:$0x3] =	sbarrier.arrive $0xFFFF;
	s2 =	simm.s32 @!p0 $0x1C03  }
0xe5: {  	[timem:s3], [sflag:s2] =	dma.local @!p0 [hbm:s0], s1  }
0xe6: {  	s0 =	simm.s32 @!p0 $0x3  }
0xe7: {  	_ =	swait.ge @!p0 [sflag:s0], s1  }
0xe8: {  	s1 =	ssub.s32 @!p0 $0x0, s1;
	[sflag:s0] =	ssyncset.done @!p0 $0x0  }
0xe9: {  	[sflag:s0] =	ssyncadd.s32 @!p0 s1  }
0xea: {  	[bflag:$0x3] =	sbarrier.arrive $0xFFFF  }
0xeb: {  	_ =	shalt  }

</sc_bundles>
